<compile_context>
chip_gen: v7x
topology: tpu7x:2x2x1
jax: 0.10.2.dev20260603
libtpu: 0.0.44.dev20260713+nightly
codegen_flags: <defaults>
</compile_context>

<pallas_src>
import jax
import jax.numpy as jnp
from jax import lax
from jax.experimental import pallas as pl
from jax.experimental.pallas import tpu as pltpu
from jax.experimental.pallas import tpu_sc as plsc

NUM_EMB = 1000001
EMB_DIM = 16
BATCH = 16384
SEQ = 200

NC = 2
NS = 16
NW = NC * NS
RPW = BATCH // NW
C_L = 40
N_CHUNKS = SEQ // C_L

CB = 65536
G1 = 16


def _project_body(t_ref, w_ref, out_ref):
    out_ref[...] = jnp.sum(t_ref[...] * w_ref[...], axis=0) * (1.0 / SEQ)


def _project(tableT, W):
    return pl.pallas_call(
        _project_body,
        grid=(G1,),
        in_specs=[
            pl.BlockSpec((EMB_DIM, CB), lambda i: (0, i)),
            pl.BlockSpec((EMB_DIM, 1), lambda i: (0, 0)),
        ],
        out_specs=pl.BlockSpec((CB,), lambda i: (i,)),
        out_shape=jax.ShapeDtypeStruct((G1 * CB,), jnp.float32),
    )(tableT, W)


C_IDX = C_L * RPW


NBUF = 2


def _pool_body(idx_hbm, tv_hbm, b_hbm, out_hbm,
               idx_v0, idx_v1, vals_v0, vals_v1, bias_v, acc_v,
               sem0, sem1, isem0, isem1):
    sid = lax.axis_index("s")
    w = sid * NC + lax.axis_index("c")
    col0 = w * RPW
    idx_bufs = (idx_v0, idx_v1)
    val_bufs = (vals_v0, vals_v1)
    sem_bufs = (sem0, sem1)
    isem_bufs = (isem0, isem1)

    pltpu.sync_copy(b_hbm, bias_v)
    bias = bias_v[...]
    zero = jnp.zeros((16,), jnp.float32)

    def zbody(g, x):
        acc_v[pl.ds(16 * g, 16)] = zero
        return x

    lax.fori_loop(0, RPW // 16, zbody, 0)

    def issue_idx(c, buf):
        base = c * C_L * BATCH + col0

        def body(l, x):
            pltpu.async_copy(
                idx_hbm.at[pl.ds(base + l * BATCH, RPW)],
                idx_bufs[buf].at[pl.ds(l * RPW, RPW)],
                isem_bufs[buf])
            return x

        lax.fori_loop(0, C_L, body, 0)

    def drain_idx(buf):
        pltpu.make_async_copy(idx_hbm.at[pl.ds(0, C_IDX)], idx_bufs[buf],
                              isem_bufs[buf]).wait()

    def gather(buf):
        return pltpu.async_copy(tv_hbm.at[idx_bufs[buf]], val_bufs[buf],
                                sem_bufs[buf])

    issue_idx(0, 0)
    drain_idx(0)
    gdescs = {0: gather(0)}
    for c in range(N_CHUNKS):
        buf = c % NBUF
        if c + 1 < N_CHUNKS:
            nbuf = (c + 1) % NBUF
            issue_idx(c + 1, nbuf)
            drain_idx(nbuf)
            gdescs[c + 1] = gather(nbuf)
        gdescs[c].wait()
        vb = val_bufs[buf]

        def gbody(g, x):
            off = 16 * g

            def body(j, a):
                p = j * 5 * RPW + off
                for r in range(5):
                    a = a + vb[pl.ds(p + r * RPW, 16)]
                return a

            part = lax.fori_loop(0, C_L // 5, body, zero)
            acc_v[pl.ds(off, 16)] += part
            return x

        lax.fori_loop(0, RPW // 16, gbody, 0)

    def bbody(g, x):
        acc_v[pl.ds(16 * g, 16)] += bias
        return x

    lax.fori_loop(0, RPW // 16, bbody, 0)
    pltpu.sync_copy(acc_v, out_hbm.at[pl.ds(col0, RPW)])


def _pool(idxTf, tv_flat, b16):
    mesh = plsc.VectorSubcoreMesh(core_axis_name="c", subcore_axis_name="s")
    f = pl.kernel(
        _pool_body,
        out_type=jax.ShapeDtypeStruct((BATCH,), jnp.float32),
        mesh=mesh,
        scratch_types=[
            pltpu.VMEM((C_IDX,), jnp.int32),
            pltpu.VMEM((C_IDX,), jnp.int32),
            pltpu.VMEM((C_IDX,), jnp.float32),
            pltpu.VMEM((C_IDX,), jnp.float32),
            pltpu.VMEM((16,), jnp.float32),
            pltpu.VMEM((RPW,), jnp.float32),
            pltpu.SemaphoreType.DMA,
            pltpu.SemaphoreType.DMA,
            pltpu.SemaphoreType.DMA,
            pltpu.SemaphoreType.DMA,
        ],
        compiler_params=pltpu.CompilerParams(needs_layout_passes=False),
    )
    return f(idxTf, tv_flat, b16)


def kernel(indices, table, W, b):
    tableT = table.T
    tv_flat = _project(tableT, W.astype(jnp.float32))
    idxTf = indices.astype(jnp.int32).T.reshape(SEQ * BATCH)
    b16 = jnp.broadcast_to(b.astype(jnp.float32), (16,))
    out = _pool(idxTf, tv_flat, b16)
    return out.reshape(BATCH, 1)

# --- scband reference (transcript-rebuilt; emitter-appended) ---
"""Pipeline reference for scband-tensorflow-model-9500467659376 (READ-ONLY COPY).

The authoritative reference and input builder live on the scoring server;
editing this copy changes nothing except your own understanding.
"""

import jax, jax.numpy as jnp
import numpy as np

NUM_EMB = 1000001
EMB_DIM = 16
BATCH = 16384
SEQ = 200

def setup_inputs(seed: int = 0) -> dict:
    key = jax.random.key(seed)
    k1, k2, k3, k4 = jax.random.split(key, 4)
    indices = jax.random.randint(k1, (BATCH, SEQ), 0, NUM_EMB, dtype=jnp.int64)
    table = jax.random.normal(k2, (NUM_EMB, EMB_DIM), dtype=jnp.float32) * 0.05
    W = jax.random.normal(k3, (EMB_DIM, 1), dtype=jnp.float32) * 0.05
    b = jnp.zeros((1,), dtype=jnp.float32)
    return {"indices": indices, "table": table, "W": W, "b": b}

def reference(indices, table, W, b):
    # Embedding lookup: [B, L] -> [B, L, D]
    emb = jnp.take(table, indices, axis=0)
    # Dropout is identity at inference
    # GlobalAveragePooling1D over sequence axis
    pooled = jnp.mean(emb, axis=1)
    # Dense(1) logits
    logits = pooled @ W + b
    return logits

if __name__ == "__main__":
    import jax
    _d = setup_inputs()
    print(jax.jit(kernel)(*tuple(_d.values())))

</pallas_src>

<mosaic_0001>
#map = affine_map<(d0, d1) -> (0)>
module attributes {stable_mosaic.version = 14 : i64} {
  func.func @_pool_body(%arg0: i32, %arg1: i32, %arg2: memref<3276800xi32, #tpu.memory_space<hbm>>, %arg3: memref<1048576xf32, #tpu.memory_space<hbm>>, %arg4: memref<16xf32, #tpu.memory_space<hbm>>, %arg5: memref<16384xf32, #tpu.memory_space<hbm>>, %arg6: memref<20480xi32, #tpu.memory_space<vmem>>, %arg7: memref<20480xi32, #tpu.memory_space<vmem>>, %arg8: memref<20480xf32, #tpu.memory_space<vmem>>, %arg9: memref<20480xf32, #tpu.memory_space<vmem>>, %arg10: memref<16xf32, #tpu.memory_space<vmem>>, %arg11: memref<512xf32, #tpu.memory_space<vmem>>, %arg12: memref<!tpu.dma_semaphore, #tpu.memory_space<semaphore_mem>>, %arg13: memref<!tpu.dma_semaphore, #tpu.memory_space<semaphore_mem>>, %arg14: memref<!tpu.dma_semaphore, #tpu.memory_space<semaphore_mem>>, %arg15: memref<!tpu.dma_semaphore, #tpu.memory_space<semaphore_mem>>) attributes {dimension_semantics = [#tpu.dimension_semantics<core_parallel>, #tpu.dimension_semantics<subcore_parallel>], iteration_bounds = array<i64: 2, 16>, scalar_prefetch = 0 : i64, scratch_operands = 10 : i64, tpu.core_type = #tpu.core_type<sc_vector_subcore>, window_params = [{transform_indices = #map}, {transform_indices = #map}, {transform_indices = #map}, {transform_indices = #map}]} {
    %mul3A = arith.constant 2 : i32
    %mul3A_0 = arith.muli %arg1, %mul3A : i32
    %add3A = arith.addi %mul3A_0, %arg0 : i32
    %mul3A_1 = arith.constant 512 : i32
    %mul3A_2 = arith.muli %add3A, %mul3A_1 : i32
    "tpu.region"() ({
      %run_scoped3A = tpu.sem_alloc : memref<!tpu.dma_semaphore, #tpu.memory_space<semaphore_mem>>
      tpu.enqueue_dma source(%arg4 : memref<16xf32, #tpu.memory_space<hbm>>) target(%arg10 : memref<16xf32, #tpu.memory_space<vmem>>) target_semaphore(%run_scoped3A : memref<!tpu.dma_semaphore, #tpu.memory_space<semaphore_mem>>)
      tpu.wait_dma2 semaphore(%run_scoped3A : memref<!tpu.dma_semaphore, #tpu.memory_space<semaphore_mem>>) src(%arg4 : memref<16xf32, #tpu.memory_space<hbm>>) dst(%arg10 : memref<16xf32, #tpu.memory_space<vmem>>)
      tpu.yield
    }) : () -> ()
    %get3A = arith.constant 0 : index
    %get3A_3 = tpu.vector_load %arg10[%get3A] {strides = array<i32>} : memref<16xf32, #tpu.memory_space<vmem>>, vector<16xf32>,
    %broadcast_in_dim3A = arith.constant 0.000000e+00 : f32
    %broadcast_in_dim3A_4 = vector.broadcast %broadcast_in_dim3A : f32 to vector<16xf32>
    %scan3A = arith.constant 0 : i32
    %scan3A_5 = arith.constant 0 : i32
    %scan3A_6 = arith.constant 32 : i32
    %scan3A_7 = arith.addi %scan3A_5, %scan3A_6 : i32
    %scan3A_8 = arith.constant 1 : i32
    scf.for %scan3A_124 = %scan3A_5 to %scan3A_7 step %scan3A_8  : i32 {
      %mul3A_125 = arith.constant 16 : i32
      %mul3A_126 = arith.muli %mul3A_125, %scan3A_124 : i32
      %swap3A = arith.index_cast %mul3A_126 : i32 to index
      %swap3A_127 = tpu.vector_load %arg11[%swap3A] {strides = array<i32>} : memref<512xf32, #tpu.memory_space<vmem>>, vector<16xf32>,
      tpu.vector_store %arg11[%swap3A], %broadcast_in_dim3A_4 {strides = array<i32>} : memref<512xf32, #tpu.memory_space<vmem>>, vector<16xf32>,
    }
    %scan3A_9 = arith.constant 32 : i32
    %add3A_10 = arith.constant 0 : i32
    %add3A_11 = arith.addi %add3A_10, %mul3A_2 : i32
    %scan3A_12 = arith.constant 0 : i32
    %scan3A_13 = arith.constant 0 : i32
    %scan3A_14 = arith.constant 40 : i32
    %scan3A_15 = arith.addi %scan3A_13, %scan3A_14 : i32
    %scan3A_16 = arith.constant 1 : i32
    scf.for %scan3A_124 = %scan3A_13 to %scan3A_15 step %scan3A_16  : i32 {
      %mul3A_125 = arith.constant 16384 : i32
      %mul3A_126 = arith.muli %scan3A_124, %mul3A_125 : i32
      %add3A_127 = arith.addi %add3A_11, %mul3A_126 : i32
      %mul3A_128 = arith.constant 512 : i32
      %mul3A_129 = arith.muli %scan3A_124, %mul3A_128 : i32
      %dma_start3A_130 = tpu.memref_slice %arg6[%mul3A_129] : memref<20480xi32, #tpu.memory_space<vmem>> -> memref<512xi32, #tpu.memory_space<vmem>>
      %dma_start3A_131 = tpu.memref_slice %arg2[%add3A_127] : memref<3276800xi32, #tpu.memory_space<hbm>> -> memref<512xi32, #tpu.memory_space<hbm>>
      %dma_start3A_132 = tpu.memref_slice %arg6[%mul3A_129] : memref<20480xi32, #tpu.memory_space<vmem>> -> memref<512xi32, #tpu.memory_space<vmem>>
      %dma_start3A_133 = tpu.memref_slice %arg2[%add3A_127] : memref<3276800xi32, #tpu.memory_space<hbm>> -> memref<512xi32, #tpu.memory_space<hbm>>
      tpu.enqueue_dma source(%dma_start3A_133 : memref<512xi32, #tpu.memory_space<hbm>>) target(%dma_start3A_132 : memref<512xi32, #tpu.memory_space<vmem>>) target_semaphore(%arg14 : memref<!tpu.dma_semaphore, #tpu.memory_space<semaphore_mem>>)
    }
    %scan3A_17 = arith.constant 40 : i32
    %dma_wait3A = arith.constant 0 : i32
    %dma_wait3A_18 = tpu.memref_slice %arg2[%dma_wait3A] : memref<3276800xi32, #tpu.memory_space<hbm>> -> memref<20480xi32, #tpu.memory_space<hbm>>
    %dma_wait3A_19 = arith.constant 0 : i32
    %dma_wait3A_20 = tpu.memref_slice %arg2[%dma_wait3A_19] : memref<3276800xi32, #tpu.memory_space<hbm>> -> memref<20480xi32, #tpu.memory_space<hbm>>
    tpu.wait_dma2 semaphore(%arg14 : memref<!tpu.dma_semaphore, #tpu.memory_space<semaphore_mem>>) src(%dma_wait3A_20 : memref<20480xi32, #tpu.memory_space<hbm>>) dst(%arg6 : memref<20480xi32, #tpu.memory_space<vmem>>)
    %dma_start3A = arith.constant 0 : i32
    %dma_start3A_21 = tpu.memref_slice %arg3[%dma_start3A] : memref<1048576xf32, #tpu.memory_space<hbm>> -> memref<1048576xf32, #tpu.memory_space<hbm>>
    tpu.enqueue_indirect_dma source(%dma_start3A_21 : memref<1048576xf32, #tpu.memory_space<hbm>>) target(%arg8 : memref<20480xf32, #tpu.memory_space<vmem>>) offsets(%arg6 : memref<20480xi32, #tpu.memory_space<vmem>>) semaphore(%arg12 : memref<!tpu.dma_semaphore, #tpu.memory_space<semaphore_mem>>)
    %add3A_22 = arith.constant 655360 : i32
    %add3A_23 = arith.addi %add3A_22, %mul3A_2 : i32
    %scan3A_24 = arith.constant 0 : i32
    %scan3A_25 = arith.constant 0 : i32
    %scan3A_26 = arith.constant 40 : i32
    %scan3A_27 = arith.addi %scan3A_25, %scan3A_26 : i32
    %scan3A_28 = arith.constant 1 : i32
    scf.for %scan3A_124 = %scan3A_25 to %scan3A_27 step %scan3A_28  : i32 {
      %mul3A_125 = arith.constant 16384 : i32
      %mul3A_126 = arith.muli %scan3A_124, %mul3A_125 : i32
      %add3A_127 = arith.addi %add3A_23, %mul3A_126 : i32
      %mul3A_128 = arith.constant 512 : i32
      %mul3A_129 = arith.muli %scan3A_124, %mul3A_128 : i32
      %dma_start3A_130 = tpu.memref_slice %arg7[%mul3A_129] : memref<20480xi32, #tpu.memory_space<vmem>> -> memref<512xi32, #tpu.memory_space<vmem>>
      %dma_start3A_131 = tpu.memref_slice %arg2[%add3A_127] : memref<3276800xi32, #tpu.memory_space<hbm>> -> memref<512xi32, #tpu.memory_space<hbm>>
      %dma_start3A_132 = tpu.memref_slice %arg7[%mul3A_129] : memref<20480xi32, #tpu.memory_space<vmem>> -> memref<512xi32, #tpu.memory_space<vmem>>
      %dma_start3A_133 = tpu.memref_slice %arg2[%add3A_127] : memref<3276800xi32, #tpu.memory_space<hbm>> -> memref<512xi32, #tpu.memory_space<hbm>>
      tpu.enqueue_dma source(%dma_start3A_133 : memref<512xi32, #tpu.memory_space<hbm>>) target(%dma_start3A_132 : memref<512xi32, #tpu.memory_space<vmem>>) target_semaphore(%arg15 : memref<!tpu.dma_semaphore, #tpu.memory_space<semaphore_mem>>)
    }
    %scan3A_29 = arith.constant 40 : i32
    %dma_wait3A_30 = arith.constant 0 : i32
    %dma_wait3A_31 = tpu.memref_slice %arg2[%dma_wait3A_30] : memref<3276800xi32, #tpu.memory_space<hbm>> -> memref<20480xi32, #tpu.memory_space<hbm>>
    %dma_wait3A_32 = arith.constant 0 : i32
    %dma_wait3A_33 = tpu.memref_slice %arg2[%dma_wait3A_32] : memref<3276800xi32, #tpu.memory_space<hbm>> -> memref<20480xi32, #tpu.memory_space<hbm>>
    tpu.wait_dma2 semaphore(%arg15 : memref<!tpu.dma_semaphore, #tpu.memory_space<semaphore_mem>>) src(%dma_wait3A_33 : memref<20480xi32, #tpu.memory_space<hbm>>) dst(%arg7 : memref<20480xi32, #tpu.memory_space<vmem>>)
    %dma_start3A_34 = arith.constant 0 : i32
    %dma_start3A_35 = tpu.memref_slice %arg3[%dma_start3A_34] : memref<1048576xf32, #tpu.memory_space<hbm>> -> memref<1048576xf32, #tpu.memory_space<hbm>>
    tpu.enqueue_indirect_dma source(%dma_start3A_35 : memref<1048576xf32, #tpu.memory_space<hbm>>) target(%arg9 : memref<20480xf32, #tpu.memory_space<vmem>>) offsets(%arg7 : memref<20480xi32, #tpu.memory_space<vmem>>) semaphore(%arg13 : memref<!tpu.dma_semaphore, #tpu.memory_space<semaphore_mem>>)
    %dma_wait3A_36 = arith.constant 0 : i32
    %dma_wait3A_37 = tpu.memref_slice %arg3[%dma_wait3A_36] : memref<1048576xf32, #tpu.memory_space<hbm>> -> memref<1048576xf32, #tpu.memory_space<hbm>>
    tpu.wait_indirect_dma semaphore(%arg12 : memref<!tpu.dma_semaphore, #tpu.memory_space<semaphore_mem>>) src(%dma_wait3A_37 : memref<1048576xf32, #tpu.memory_space<hbm>>) dst(%arg8 : memref<20480xf32, #tpu.memory_space<vmem>>)
    %scan3A_38 = arith.constant 0 : i32
    %scan3A_39 = arith.constant 0 : i32
    %scan3A_40 = arith.constant 32 : i32
    %scan3A_41 = arith.addi %scan3A_39, %scan3A_40 : i32
    %scan3A_42 = arith.constant 1 : i32
    scf.for %scan3A_124 = %scan3A_39 to %scan3A_41 step %scan3A_42  : i32 {
      %mul3A_125 = arith.constant 16 : i32
      %mul3A_126 = arith.muli %mul3A_125, %scan3A_124 : i32
      %scan3A_127 = arith.constant 0 : i32
      %scan3A_128 = arith.constant 8 : i32
      %scan3A_129 = arith.addi %scan3A_127, %scan3A_128 : i32
      %scan3A_130 = arith.constant 1 : i32
      %scan3A_131 = scf.for %scan3A_137 = %scan3A_127 to %scan3A_129 step %scan3A_130 iter_args(%scan3A_138 = %broadcast_in_dim3A_4) -> (vector<16xf32>)  : i32 {
        %mul3A_139 = arith.constant 5 : i32
        %mul3A_140 = arith.muli %scan3A_137, %mul3A_139 : i32
        %mul3A_141 = arith.constant 512 : i32
        %mul3A_142 = arith.muli %mul3A_140, %mul3A_141 : i32
        %add3A_143 = arith.addi %mul3A_142, %mul3A_126 : i32
        %add3A_144 = arith.constant 0 : i32
        %add3A_145 = arith.addi %add3A_143, %add3A_144 : i32
        %get3A_146 = arith.index_cast %add3A_145 : i32 to index
        %get3A_147 = tpu.vector_load %arg8[%get3A_146] {strides = array<i32>} : memref<20480xf32, #tpu.memory_space<vmem>>, vector<16xf32>,
        %add3A_148 = arith.addf %scan3A_138, %get3A_147 : vector<16xf32>
        %add3A_149 = arith.constant 512 : i32
        %add3A_150 = arith.addi %add3A_143, %add3A_149 : i32
        %get3A_151 = arith.index_cast %add3A_150 : i32 to index
        %get3A_152 = tpu.vector_load %arg8[%get3A_151] {strides = array<i32>} : memref<20480xf32, #tpu.memory_space<vmem>>, vector<16xf32>,
        %add3A_153 = arith.addf %add3A_148, %get3A_152 : vector<16xf32>
        %add3A_154 = arith.constant 1024 : i32
        %add3A_155 = arith.addi %add3A_143, %add3A_154 : i32
        %get3A_156 = arith.index_cast %add3A_155 : i32 to index
        %get3A_157 = tpu.vector_load %arg8[%get3A_156] {strides = array<i32>} : memref<20480xf32, #tpu.memory_space<vmem>>, vector<16xf32>,
        %add3A_158 = arith.addf %add3A_153, %get3A_157 : vector<16xf32>
        %add3A_159 = arith.constant 1536 : i32
        %add3A_160 = arith.addi %add3A_143, %add3A_159 : i32
        %get3A_161 = arith.index_cast %add3A_160 : i32 to index
        %get3A_162 = tpu.vector_load %arg8[%get3A_161] {strides = array<i32>} : memref<20480xf32, #tpu.memory_space<vmem>>, vector<16xf32>,
        %add3A_163 = arith.addf %add3A_158, %get3A_162 : vector<16xf32>
        %add3A_164 = arith.constant 2048 : i32
        %add3A_165 = arith.addi %add3A_143, %add3A_164 : i32
        %get3A_166 = arith.index_cast %add3A_165 : i32 to index
        %get3A_167 = tpu.vector_load %arg8[%get3A_166] {strides = array<i32>} : memref<20480xf32, #tpu.memory_space<vmem>>, vector<16xf32>,
        %add3A_168 = arith.addf %add3A_163, %get3A_167 : vector<16xf32>
        scf.yield %add3A_168 : vector<16xf32>
      }
      %scan3A_132 = arith.constant 8 : i32
      %get3A_133 = arith.index_cast %mul3A_126 : i32 to index
      %get3A_134 = tpu.vector_load %arg11[%get3A_133] {strides = array<i32>} : memref<512xf32, #tpu.memory_space<vmem>>, vector<16xf32>,
      %add3A_135 = arith.addf %get3A_134, %scan3A_131 : vector<16xf32>
      %swap3A = arith.index_cast %mul3A_126 : i32 to index
      %swap3A_136 = tpu.vector_load %arg11[%swap3A] {strides = array<i32>} : memref<512xf32, #tpu.memory_space<vmem>>, vector<16xf32>,
      tpu.vector_store %arg11[%swap3A], %add3A_135 {strides = array<i32>} : memref<512xf32, #tpu.memory_space<vmem>>, vector<16xf32>,
    }
    %scan3A_43 = arith.constant 32 : i32
    %add3A_44 = arith.constant 1310720 : i32
    %add3A_45 = arith.addi %add3A_44, %mul3A_2 : i32
    %scan3A_46 = arith.constant 0 : i32
    %scan3A_47 = arith.constant 0 : i32
    %scan3A_48 = arith.constant 40 : i32
    %scan3A_49 = arith.addi %scan3A_47, %scan3A_48 : i32
    %scan3A_50 = arith.constant 1 : i32
    scf.for %scan3A_124 = %scan3A_47 to %scan3A_49 step %scan3A_50  : i32 {
      %mul3A_125 = arith.constant 16384 : i32
      %mul3A_126 = arith.muli %scan3A_124, %mul3A_125 : i32
      %add3A_127 = arith.addi %add3A_45, %mul3A_126 : i32
      %mul3A_128 = arith.constant 512 : i32
      %mul3A_129 = arith.muli %scan3A_124, %mul3A_128 : i32
      %dma_start3A_130 = tpu.memref_slice %arg6[%mul3A_129] : memref<20480xi32, #tpu.memory_space<vmem>> -> memref<512xi32, #tpu.memory_space<vmem>>
      %dma_start3A_131 = tpu.memref_slice %arg2[%add3A_127] : memref<3276800xi32, #tpu.memory_space<hbm>> -> memref<512xi32, #tpu.memory_space<hbm>>
      %dma_start3A_132 = tpu.memref_slice %arg6[%mul3A_129] : memref<20480xi32, #tpu.memory_space<vmem>> -> memref<512xi32, #tpu.memory_space<vmem>>
      %dma_start3A_133 = tpu.memref_slice %arg2[%add3A_127] : memref<3276800xi32, #tpu.memory_space<hbm>> -> memref<512xi32, #tpu.memory_space<hbm>>
      tpu.enqueue_dma source(%dma_start3A_133 : memref<512xi32, #tpu.memory_space<hbm>>) target(%dma_start3A_132 : memref<512xi32, #tpu.memory_space<vmem>>) target_semaphore(%arg14 : memref<!tpu.dma_semaphore, #tpu.memory_space<semaphore_mem>>)
    }
    %scan3A_51 = arith.constant 40 : i32
    %dma_wait3A_52 = arith.constant 0 : i32
    %dma_wait3A_53 = tpu.memref_slice %arg2[%dma_wait3A_52] : memref<3276800xi32, #tpu.memory_space<hbm>> -> memref<20480xi32, #tpu.memory_space<hbm>>
    %dma_wait3A_54 = arith.constant 0 : i32
    %dma_wait3A_55 = tpu.memref_slice %arg2[%dma_wait3A_54] : memref<3276800xi32, #tpu.memory_space<hbm>> -> memref<20480xi32, #tpu.memory_space<hbm>>
    tpu.wait_dma2 semaphore(%arg14 : memref<!tpu.dma_semaphore, #tpu.memory_space<semaphore_mem>>) src(%dma_wait3A_55 : memref<20480xi32, #tpu.memory_space<hbm>>) dst(%arg6 : memref<20480xi32, #tpu.memory_space<vmem>>)
    %dma_start3A_56 = arith.constant 0 : i32
    %dma_start3A_57 = tpu.memref_slice %arg3[%dma_start3A_56] : memref<1048576xf32, #tpu.memory_space<hbm>> -> memref<1048576xf32, #tpu.memory_space<hbm>>
    tpu.enqueue_indirect_dma source(%dma_start3A_57 : memref<1048576xf32, #tpu.memory_space<hbm>>) target(%arg8 : memref<20480xf32, #tpu.memory_space<vmem>>) offsets(%arg6 : memref<20480xi32, #tpu.memory_space<vmem>>) semaphore(%arg12 : memref<!tpu.dma_semaphore, #tpu.memory_space<semaphore_mem>>)
    %dma_wait3A_58 = arith.constant 0 : i32
    %dma_wait3A_59 = tpu.memref_slice %arg3[%dma_wait3A_58] : memref<1048576xf32, #tpu.memory_space<hbm>> -> memref<1048576xf32, #tpu.memory_space<hbm>>
    tpu.wait_indirect_dma semaphore(%arg13 : memref<!tpu.dma_semaphore, #tpu.memory_space<semaphore_mem>>) src(%dma_wait3A_59 : memref<1048576xf32, #tpu.memory_space<hbm>>) dst(%arg9 : memref<20480xf32, #tpu.memory_space<vmem>>)
    %scan3A_60 = arith.constant 0 : i32
    %scan3A_61 = arith.constant 0 : i32
    %scan3A_62 = arith.constant 32 : i32
    %scan3A_63 = arith.addi %scan3A_61, %scan3A_62 : i32
    %scan3A_64 = arith.constant 1 : i32
    scf.for %scan3A_124 = %scan3A_61 to %scan3A_63 step %scan3A_64  : i32 {
      %mul3A_125 = arith.constant 16 : i32
      %mul3A_126 = arith.muli %mul3A_125, %scan3A_124 : i32
      %scan3A_127 = arith.constant 0 : i32
      %scan3A_128 = arith.constant 8 : i32
      %scan3A_129 = arith.addi %scan3A_127, %scan3A_128 : i32
      %scan3A_130 = arith.constant 1 : i32
      %scan3A_131 = scf.for %scan3A_137 = %scan3A_127 to %scan3A_129 step %scan3A_130 iter_args(%scan3A_138 = %broadcast_in_dim3A_4) -> (vector<16xf32>)  : i32 {
        %mul3A_139 = arith.constant 5 : i32
        %mul3A_140 = arith.muli %scan3A_137, %mul3A_139 : i32
        %mul3A_141 = arith.constant 512 : i32
        %mul3A_142 = arith.muli %mul3A_140, %mul3A_141 : i32
        %add3A_143 = arith.addi %mul3A_142, %mul3A_126 : i32
        %add3A_144 = arith.constant 0 : i32
        %add3A_145 = arith.addi %add3A_143, %add3A_144 : i32
        %get3A_146 = arith.index_cast %add3A_145 : i32 to index
        %get3A_147 = tpu.vector_load %arg9[%get3A_146] {strides = array<i32>} : memref<20480xf32, #tpu.memory_space<vmem>>, vector<16xf32>,
        %add3A_148 = arith.addf %scan3A_138, %get3A_147 : vector<16xf32>
        %add3A_149 = arith.constant 512 : i32
        %add3A_150 = arith.addi %add3A_143, %add3A_149 : i32
        %get3A_151 = arith.index_cast %add3A_150 : i32 to index
        %get3A_152 = tpu.vector_load %arg9[%get3A_151] {strides = array<i32>} : memref<20480xf32, #tpu.memory_space<vmem>>, vector<16xf32>,
        %add3A_153 = arith.addf %add3A_148, %get3A_152 : vector<16xf32>
        %add3A_154 = arith.constant 1024 : i32
        %add3A_155 = arith.addi %add3A_143, %add3A_154 : i32
        %get3A_156 = arith.index_cast %add3A_155 : i32 to index
        %get3A_157 = tpu.vector_load %arg9[%get3A_156] {strides = array<i32>} : memref<20480xf32, #tpu.memory_space<vmem>>, vector<16xf32>,
        %add3A_158 = arith.addf %add3A_153, %get3A_157 : vector<16xf32>
        %add3A_159 = arith.constant 1536 : i32
        %add3A_160 = arith.addi %add3A_143, %add3A_159 : i32
        %get3A_161 = arith.index_cast %add3A_160 : i32 to index
        %get3A_162 = tpu.vector_load %arg9[%get3A_161] {strides = array<i32>} : memref<20480xf32, #tpu.memory_space<vmem>>, vector<16xf32>,
        %add3A_163 = arith.addf %add3A_158, %get3A_162 : vector<16xf32>
        %add3A_164 = arith.constant 2048 : i32
        %add3A_165 = arith.addi %add3A_143, %add3A_164 : i32
        %get3A_166 = arith.index_cast %add3A_165 : i32 to index
        %get3A_167 = tpu.vector_load %arg9[%get3A_166] {strides = array<i32>} : memref<20480xf32, #tpu.memory_space<vmem>>, vector<16xf32>,
        %add3A_168 = arith.addf %add3A_163, %get3A_167 : vector<16xf32>
        scf.yield %add3A_168 : vector<16xf32>
      }
      %scan3A_132 = arith.constant 8 : i32
      %get3A_133 = arith.index_cast %mul3A_126 : i32 to index
      %get3A_134 = tpu.vector_load %arg11[%get3A_133] {strides = array<i32>} : memref<512xf32, #tpu.memory_space<vmem>>, vector<16xf32>,
      %add3A_135 = arith.addf %get3A_134, %scan3A_131 : vector<16xf32>
      %swap3A = arith.index_cast %mul3A_126 : i32 to index
      %swap3A_136 = tpu.vector_load %arg11[%swap3A] {strides = array<i32>} : memref<512xf32, #tpu.memory_space<vmem>>, vector<16xf32>,
      tpu.vector_store %arg11[%swap3A], %add3A_135 {strides = array<i32>} : memref<512xf32, #tpu.memory_space<vmem>>, vector<16xf32>,
    }
    %scan3A_65 = arith.constant 32 : i32
    %add3A_66 = arith.constant 1966080 : i32
    %add3A_67 = arith.addi %add3A_66, %mul3A_2 : i32
    %scan3A_68 = arith.constant 0 : i32
    %scan3A_69 = arith.constant 0 : i32
    %scan3A_70 = arith.constant 40 : i32
    %scan3A_71 = arith.addi %scan3A_69, %scan3A_70 : i32
    %scan3A_72 = arith.constant 1 : i32
    scf.for %scan3A_124 = %scan3A_69 to %scan3A_71 step %scan3A_72  : i32 {
      %mul3A_125 = arith.constant 16384 : i32
      %mul3A_126 = arith.muli %scan3A_124, %mul3A_125 : i32
      %add3A_127 = arith.addi %add3A_67, %mul3A_126 : i32
      %mul3A_128 = arith.constant 512 : i32
      %mul3A_129 = arith.muli %scan3A_124, %mul3A_128 : i32
      %dma_start3A_130 = tpu.memref_slice %arg7[%mul3A_129] : memref<20480xi32, #tpu.memory_space<vmem>> -> memref<512xi32, #tpu.memory_space<vmem>>
      %dma_start3A_131 = tpu.memref_slice %arg2[%add3A_127] : memref<3276800xi32, #tpu.memory_space<hbm>> -> memref<512xi32, #tpu.memory_space<hbm>>
      %dma_start3A_132 = tpu.memref_slice %arg7[%mul3A_129] : memref<20480xi32, #tpu.memory_space<vmem>> -> memref<512xi32, #tpu.memory_space<vmem>>
      %dma_start3A_133 = tpu.memref_slice %arg2[%add3A_127] : memref<3276800xi32, #tpu.memory_space<hbm>> -> memref<512xi32, #tpu.memory_space<hbm>>
      tpu.enqueue_dma source(%dma_start3A_133 : memref<512xi32, #tpu.memory_space<hbm>>) target(%dma_start3A_132 : memref<512xi32, #tpu.memory_space<vmem>>) target_semaphore(%arg15 : memref<!tpu.dma_semaphore, #tpu.memory_space<semaphore_mem>>)
    }
    %scan3A_73 = arith.constant 40 : i32
    %dma_wait3A_74 = arith.constant 0 : i32
    %dma_wait3A_75 = tpu.memref_slice %arg2[%dma_wait3A_74] : memref<3276800xi32, #tpu.memory_space<hbm>> -> memref<20480xi32, #tpu.memory_space<hbm>>
    %dma_wait3A_76 = arith.constant 0 : i32
    %dma_wait3A_77 = tpu.memref_slice %arg2[%dma_wait3A_76] : memref<3276800xi32, #tpu.memory_space<hbm>> -> memref<20480xi32, #tpu.memory_space<hbm>>
    tpu.wait_dma2 semaphore(%arg15 : memref<!tpu.dma_semaphore, #tpu.memory_space<semaphore_mem>>) src(%dma_wait3A_77 : memref<20480xi32, #tpu.memory_space<hbm>>) dst(%arg7 : memref<20480xi32, #tpu.memory_space<vmem>>)
    %dma_start3A_78 = arith.constant 0 : i32
    %dma_start3A_79 = tpu.memref_slice %arg3[%dma_start3A_78] : memref<1048576xf32, #tpu.memory_space<hbm>> -> memref<1048576xf32, #tpu.memory_space<hbm>>
    tpu.enqueue_indirect_dma source(%dma_start3A_79 : memref<1048576xf32, #tpu.memory_space<hbm>>) target(%arg9 : memref<20480xf32, #tpu.memory_space<vmem>>) offsets(%arg7 : memref<20480xi32, #tpu.memory_space<vmem>>) semaphore(%arg13 : memref<!tpu.dma_semaphore, #tpu.memory_space<semaphore_mem>>)
    %dma_wait3A_80 = arith.constant 0 : i32
    %dma_wait3A_81 = tpu.memref_slice %arg3[%dma_wait3A_80] : memref<1048576xf32, #tpu.memory_space<hbm>> -> memref<1048576xf32, #tpu.memory_space<hbm>>
    tpu.wait_indirect_dma semaphore(%arg12 : memref<!tpu.dma_semaphore, #tpu.memory_space<semaphore_mem>>) src(%dma_wait3A_81 : memref<1048576xf32, #tpu.memory_space<hbm>>) dst(%arg8 : memref<20480xf32, #tpu.memory_space<vmem>>)
    %scan3A_82 = arith.constant 0 : i32
    %scan3A_83 = arith.constant 0 : i32
    %scan3A_84 = arith.constant 32 : i32
    %scan3A_85 = arith.addi %scan3A_83, %scan3A_84 : i32
    %scan3A_86 = arith.constant 1 : i32
    scf.for %scan3A_124 = %scan3A_83 to %scan3A_85 step %scan3A_86  : i32 {
      %mul3A_125 = arith.constant 16 : i32
      %mul3A_126 = arith.muli %mul3A_125, %scan3A_124 : i32
      %scan3A_127 = arith.constant 0 : i32
      %scan3A_128 = arith.constant 8 : i32
      %scan3A_129 = arith.addi %scan3A_127, %scan3A_128 : i32
      %scan3A_130 = arith.constant 1 : i32
      %scan3A_131 = scf.for %scan3A_137 = %scan3A_127 to %scan3A_129 step %scan3A_130 iter_args(%scan3A_138 = %broadcast_in_dim3A_4) -> (vector<16xf32>)  : i32 {
        %mul3A_139 = arith.constant 5 : i32
        %mul3A_140 = arith.muli %scan3A_137, %mul3A_139 : i32
        %mul3A_141 = arith.constant 512 : i32
        %mul3A_142 = arith.muli %mul3A_140, %mul3A_141 : i32
        %add3A_143 = arith.addi %mul3A_142, %mul3A_126 : i32
        %add3A_144 = arith.constant 0 : i32
        %add3A_145 = arith.addi %add3A_143, %add3A_144 : i32
        %get3A_146 = arith.index_cast %add3A_145 : i32 to index
        %get3A_147 = tpu.vector_load %arg8[%get3A_146] {strides = array<i32>} : memref<20480xf32, #tpu.memory_space<vmem>>, vector<16xf32>,
        %add3A_148 = arith.addf %scan3A_138, %get3A_147 : vector<16xf32>
        %add3A_149 = arith.constant 512 : i32
        %add3A_150 = arith.addi %add3A_143, %add3A_149 : i32
        %get3A_151 = arith.index_cast %add3A_150 : i32 to index
        %get3A_152 = tpu.vector_load %arg8[%get3A_151] {strides = array<i32>} : memref<20480xf32, #tpu.memory_space<vmem>>, vector<16xf32>,
        %add3A_153 = arith.addf %add3A_148, %get3A_152 : vector<16xf32>
        %add3A_154 = arith.constant 1024 : i32
        %add3A_155 = arith.addi %add3A_143, %add3A_154 : i32
        %get3A_156 = arith.index_cast %add3A_155 : i32 to index
        %get3A_157 = tpu.vector_load %arg8[%get3A_156] {strides = array<i32>} : memref<20480xf32, #tpu.memory_space<vmem>>, vector<16xf32>,
        %add3A_158 = arith.addf %add3A_153, %get3A_157 : vector<16xf32>
        %add3A_159 = arith.constant 1536 : i32
        %add3A_160 = arith.addi %add3A_143, %add3A_159 : i32
        %get3A_161 = arith.index_cast %add3A_160 : i32 to index
        %get3A_162 = tpu.vector_load %arg8[%get3A_161] {strides = array<i32>} : memref<20480xf32, #tpu.memory_space<vmem>>, vector<16xf32>,
        %add3A_163 = arith.addf %add3A_158, %get3A_162 : vector<16xf32>
        %add3A_164 = arith.constant 2048 : i32
        %add3A_165 = arith.addi %add3A_143, %add3A_164 : i32
        %get3A_166 = arith.index_cast %add3A_165 : i32 to index
        %get3A_167 = tpu.vector_load %arg8[%get3A_166] {strides = array<i32>} : memref<20480xf32, #tpu.memory_space<vmem>>, vector<16xf32>,
        %add3A_168 = arith.addf %add3A_163, %get3A_167 : vector<16xf32>
        scf.yield %add3A_168 : vector<16xf32>
      }
      %scan3A_132 = arith.constant 8 : i32
      %get3A_133 = arith.index_cast %mul3A_126 : i32 to index
      %get3A_134 = tpu.vector_load %arg11[%get3A_133] {strides = array<i32>} : memref<512xf32, #tpu.memory_space<vmem>>, vector<16xf32>,
      %add3A_135 = arith.addf %get3A_134, %scan3A_131 : vector<16xf32>
      %swap3A = arith.index_cast %mul3A_126 : i32 to index
      %swap3A_136 = tpu.vector_load %arg11[%swap3A] {strides = array<i32>} : memref<512xf32, #tpu.memory_space<vmem>>, vector<16xf32>,
      tpu.vector_store %arg11[%swap3A], %add3A_135 {strides = array<i32>} : memref<512xf32, #tpu.memory_space<vmem>>, vector<16xf32>,
    }
    %scan3A_87 = arith.constant 32 : i32
    %add3A_88 = arith.constant 2621440 : i32
    %add3A_89 = arith.addi %add3A_88, %mul3A_2 : i32
    %scan3A_90 = arith.constant 0 : i32
    %scan3A_91 = arith.constant 0 : i32
    %scan3A_92 = arith.constant 40 : i32
    %scan3A_93 = arith.addi %scan3A_91, %scan3A_92 : i32
    %scan3A_94 = arith.constant 1 : i32
    scf.for %scan3A_124 = %scan3A_91 to %scan3A_93 step %scan3A_94  : i32 {
      %mul3A_125 = arith.constant 16384 : i32
      %mul3A_126 = arith.muli %scan3A_124, %mul3A_125 : i32
      %add3A_127 = arith.addi %add3A_89, %mul3A_126 : i32
      %mul3A_128 = arith.constant 512 : i32
      %mul3A_129 = arith.muli %scan3A_124, %mul3A_128 : i32
      %dma_start3A_130 = tpu.memref_slice %arg6[%mul3A_129] : memref<20480xi32, #tpu.memory_space<vmem>> -> memref<512xi32, #tpu.memory_space<vmem>>
      %dma_start3A_131 = tpu.memref_slice %arg2[%add3A_127] : memref<3276800xi32, #tpu.memory_space<hbm>> -> memref<512xi32, #tpu.memory_space<hbm>>
      %dma_start3A_132 = tpu.memref_slice %arg6[%mul3A_129] : memref<20480xi32, #tpu.memory_space<vmem>> -> memref<512xi32, #tpu.memory_space<vmem>>
      %dma_start3A_133 = tpu.memref_slice %arg2[%add3A_127] : memref<3276800xi32, #tpu.memory_space<hbm>> -> memref<512xi32, #tpu.memory_space<hbm>>
      tpu.enqueue_dma source(%dma_start3A_133 : memref<512xi32, #tpu.memory_space<hbm>>) target(%dma_start3A_132 : memref<512xi32, #tpu.memory_space<vmem>>) target_semaphore(%arg14 : memref<!tpu.dma_semaphore, #tpu.memory_space<semaphore_mem>>)
    }
    %scan3A_95 = arith.constant 40 : i32
    %dma_wait3A_96 = arith.constant 0 : i32
    %dma_wait3A_97 = tpu.memref_slice %arg2[%dma_wait3A_96] : memref<3276800xi32, #tpu.memory_space<hbm>> -> memref<20480xi32, #tpu.memory_space<hbm>>
    %dma_wait3A_98 = arith.constant 0 : i32
    %dma_wait3A_99 = tpu.memref_slice %arg2[%dma_wait3A_98] : memref<3276800xi32, #tpu.memory_space<hbm>> -> memref<20480xi32, #tpu.memory_space<hbm>>
    tpu.wait_dma2 semaphore(%arg14 : memref<!tpu.dma_semaphore, #tpu.memory_space<semaphore_mem>>) src(%dma_wait3A_99 : memref<20480xi32, #tpu.memory_space<hbm>>) dst(%arg6 : memref<20480xi32, #tpu.memory_space<vmem>>)
    %dma_start3A_100 = arith.constant 0 : i32
    %dma_start3A_101 = tpu.memref_slice %arg3[%dma_start3A_100] : memref<1048576xf32, #tpu.memory_space<hbm>> -> memref<1048576xf32, #tpu.memory_space<hbm>>
    tpu.enqueue_indirect_dma source(%dma_start3A_101 : memref<1048576xf32, #tpu.memory_space<hbm>>) target(%arg8 : memref<20480xf32, #tpu.memory_space<vmem>>) offsets(%arg6 : memref<20480xi32, #tpu.memory_space<vmem>>) semaphore(%arg12 : memref<!tpu.dma_semaphore, #tpu.memory_space<semaphore_mem>>)
    %dma_wait3A_102 = arith.constant 0 : i32
    %dma_wait3A_103 = tpu.memref_slice %arg3[%dma_wait3A_102] : memref<1048576xf32, #tpu.memory_space<hbm>> -> memref<1048576xf32, #tpu.memory_space<hbm>>
    tpu.wait_indirect_dma semaphore(%arg13 : memref<!tpu.dma_semaphore, #tpu.memory_space<semaphore_mem>>) src(%dma_wait3A_103 : memref<1048576xf32, #tpu.memory_space<hbm>>) dst(%arg9 : memref<20480xf32, #tpu.memory_space<vmem>>)
    %scan3A_104 = arith.constant 0 : i32
    %scan3A_105 = arith.constant 0 : i32
    %scan3A_106 = arith.constant 32 : i32
    %scan3A_107 = arith.addi %scan3A_105, %scan3A_106 : i32
    %scan3A_108 = arith.constant 1 : i32
    scf.for %scan3A_124 = %scan3A_105 to %scan3A_107 step %scan3A_108  : i32 {
      %mul3A_125 = arith.constant 16 : i32
      %mul3A_126 = arith.muli %mul3A_125, %scan3A_124 : i32
      %scan3A_127 = arith.constant 0 : i32
      %scan3A_128 = arith.constant 8 : i32
      %scan3A_129 = arith.addi %scan3A_127, %scan3A_128 : i32
      %scan3A_130 = arith.constant 1 : i32
      %scan3A_131 = scf.for %scan3A_137 = %scan3A_127 to %scan3A_129 step %scan3A_130 iter_args(%scan3A_138 = %broadcast_in_dim3A_4) -> (vector<16xf32>)  : i32 {
        %mul3A_139 = arith.constant 5 : i32
        %mul3A_140 = arith.muli %scan3A_137, %mul3A_139 : i32
        %mul3A_141 = arith.constant 512 : i32
        %mul3A_142 = arith.muli %mul3A_140, %mul3A_141 : i32
        %add3A_143 = arith.addi %mul3A_142, %mul3A_126 : i32
        %add3A_144 = arith.constant 0 : i32
        %add3A_145 = arith.addi %add3A_143, %add3A_144 : i32
        %get3A_146 = arith.index_cast %add3A_145 : i32 to index
        %get3A_147 = tpu.vector_load %arg9[%get3A_146] {strides = array<i32>} : memref<20480xf32, #tpu.memory_space<vmem>>, vector<16xf32>,
        %add3A_148 = arith.addf %scan3A_138, %get3A_147 : vector<16xf32>
        %add3A_149 = arith.constant 512 : i32
        %add3A_150 = arith.addi %add3A_143, %add3A_149 : i32
        %get3A_151 = arith.index_cast %add3A_150 : i32 to index
        %get3A_152 = tpu.vector_load %arg9[%get3A_151] {strides = array<i32>} : memref<20480xf32, #tpu.memory_space<vmem>>, vector<16xf32>,
        %add3A_153 = arith.addf %add3A_148, %get3A_152 : vector<16xf32>
        %add3A_154 = arith.constant 1024 : i32
        %add3A_155 = arith.addi %add3A_143, %add3A_154 : i32
        %get3A_156 = arith.index_cast %add3A_155 : i32 to index
        %get3A_157 = tpu.vector_load %arg9[%get3A_156] {strides = array<i32>} : memref<20480xf32, #tpu.memory_space<vmem>>, vector<16xf32>,
        %add3A_158 = arith.addf %add3A_153, %get3A_157 : vector<16xf32>
        %add3A_159 = arith.constant 1536 : i32
        %add3A_160 = arith.addi %add3A_143, %add3A_159 : i32
        %get3A_161 = arith.index_cast %add3A_160 : i32 to index
        %get3A_162 = tpu.vector_load %arg9[%get3A_161] {strides = array<i32>} : memref<20480xf32, #tpu.memory_space<vmem>>, vector<16xf32>,
        %add3A_163 = arith.addf %add3A_158, %get3A_162 : vector<16xf32>
        %add3A_164 = arith.constant 2048 : i32
        %add3A_165 = arith.addi %add3A_143, %add3A_164 : i32
        %get3A_166 = arith.index_cast %add3A_165 : i32 to index
        %get3A_167 = tpu.vector_load %arg9[%get3A_166] {strides = array<i32>} : memref<20480xf32, #tpu.memory_space<vmem>>, vector<16xf32>,
        %add3A_168 = arith.addf %add3A_163, %get3A_167 : vector<16xf32>
        scf.yield %add3A_168 : vector<16xf32>
      }
      %scan3A_132 = arith.constant 8 : i32
      %get3A_133 = arith.index_cast %mul3A_126 : i32 to index
      %get3A_134 = tpu.vector_load %arg11[%get3A_133] {strides = array<i32>} : memref<512xf32, #tpu.memory_space<vmem>>, vector<16xf32>,
      %add3A_135 = arith.addf %get3A_134, %scan3A_131 : vector<16xf32>
      %swap3A = arith.index_cast %mul3A_126 : i32 to index
      %swap3A_136 = tpu.vector_load %arg11[%swap3A] {strides = array<i32>} : memref<512xf32, #tpu.memory_space<vmem>>, vector<16xf32>,
      tpu.vector_store %arg11[%swap3A], %add3A_135 {strides = array<i32>} : memref<512xf32, #tpu.memory_space<vmem>>, vector<16xf32>,
    }
    %scan3A_109 = arith.constant 32 : i32
    %dma_wait3A_110 = arith.constant 0 : i32
    %dma_wait3A_111 = tpu.memref_slice %arg3[%dma_wait3A_110] : memref<1048576xf32, #tpu.memory_space<hbm>> -> memref<1048576xf32, #tpu.memory_space<hbm>>
    tpu.wait_indirect_dma semaphore(%arg12 : memref<!tpu.dma_semaphore, #tpu.memory_space<semaphore_mem>>) src(%dma_wait3A_111 : memref<1048576xf32, #tpu.memory_space<hbm>>) dst(%arg8 : memref<20480xf32, #tpu.memory_space<vmem>>)
    %scan3A_112 = arith.constant 0 : i32
    %scan3A_113 = arith.constant 0 : i32
    %scan3A_114 = arith.constant 32 : i32
    %scan3A_115 = arith.addi %scan3A_113, %scan3A_114 : i32
    %scan3A_116 = arith.constant 1 : i32
    scf.for %scan3A_124 = %scan3A_113 to %scan3A_115 step %scan3A_116  : i32 {
      %mul3A_125 = arith.constant 16 : i32
      %mul3A_126 = arith.muli %mul3A_125, %scan3A_124 : i32
      %scan3A_127 = arith.constant 0 : i32
      %scan3A_128 = arith.constant 8 : i32
      %scan3A_129 = arith.addi %scan3A_127, %scan3A_128 : i32
      %scan3A_130 = arith.constant 1 : i32
      %scan3A_131 = scf.for %scan3A_137 = %scan3A_127 to %scan3A_129 step %scan3A_130 iter_args(%scan3A_138 = %broadcast_in_dim3A_4) -> (vector<16xf32>)  : i32 {
        %mul3A_139 = arith.constant 5 : i32
        %mul3A_140 = arith.muli %scan3A_137, %mul3A_139 : i32
        %mul3A_141 = arith.constant 512 : i32
        %mul3A_142 = arith.muli %mul3A_140, %mul3A_141 : i32
        %add3A_143 = arith.addi %mul3A_142, %mul3A_126 : i32
        %add3A_144 = arith.constant 0 : i32
        %add3A_145 = arith.addi %add3A_143, %add3A_144 : i32
        %get3A_146 = arith.index_cast %add3A_145 : i32 to index
        %get3A_147 = tpu.vector_load %arg8[%get3A_146] {strides = array<i32>} : memref<20480xf32, #tpu.memory_space<vmem>>, vector<16xf32>,
        %add3A_148 = arith.addf %scan3A_138, %get3A_147 : vector<16xf32>
        %add3A_149 = arith.constant 512 : i32
        %add3A_150 = arith.addi %add3A_143, %add3A_149 : i32
        %get3A_151 = arith.index_cast %add3A_150 : i32 to index
        %get3A_152 = tpu.vector_load %arg8[%get3A_151] {strides = array<i32>} : memref<20480xf32, #tpu.memory_space<vmem>>, vector<16xf32>,
        %add3A_153 = arith.addf %add3A_148, %get3A_152 : vector<16xf32>
        %add3A_154 = arith.constant 1024 : i32
        %add3A_155 = arith.addi %add3A_143, %add3A_154 : i32
        %get3A_156 = arith.index_cast %add3A_155 : i32 to index
        %get3A_157 = tpu.vector_load %arg8[%get3A_156] {strides = array<i32>} : memref<20480xf32, #tpu.memory_space<vmem>>, vector<16xf32>,
        %add3A_158 = arith.addf %add3A_153, %get3A_157 : vector<16xf32>
        %add3A_159 = arith.constant 1536 : i32
        %add3A_160 = arith.addi %add3A_143, %add3A_159 : i32
        %get3A_161 = arith.index_cast %add3A_160 : i32 to index
        %get3A_162 = tpu.vector_load %arg8[%get3A_161] {strides = array<i32>} : memref<20480xf32, #tpu.memory_space<vmem>>, vector<16xf32>,
        %add3A_163 = arith.addf %add3A_158, %get3A_162 : vector<16xf32>
        %add3A_164 = arith.constant 2048 : i32
        %add3A_165 = arith.addi %add3A_143, %add3A_164 : i32
        %get3A_166 = arith.index_cast %add3A_165 : i32 to index
        %get3A_167 = tpu.vector_load %arg8[%get3A_166] {strides = array<i32>} : memref<20480xf32, #tpu.memory_space<vmem>>, vector<16xf32>,
        %add3A_168 = arith.addf %add3A_163, %get3A_167 : vector<16xf32>
        scf.yield %add3A_168 : vector<16xf32>
      }
      %scan3A_132 = arith.constant 8 : i32
      %get3A_133 = arith.index_cast %mul3A_126 : i32 to index
      %get3A_134 = tpu.vector_load %arg11[%get3A_133] {strides = array<i32>} : memref<512xf32, #tpu.memory_space<vmem>>, vector<16xf32>,
      %add3A_135 = arith.addf %get3A_134, %scan3A_131 : vector<16xf32>
      %swap3A = arith.index_cast %mul3A_126 : i32 to index
      %swap3A_136 = tpu.vector_load %arg11[%swap3A] {strides = array<i32>} : memref<512xf32, #tpu.memory_space<vmem>>, vector<16xf32>,
      tpu.vector_store %arg11[%swap3A], %add3A_135 {strides = array<i32>} : memref<512xf32, #tpu.memory_space<vmem>>, vector<16xf32>,
    }
    %scan3A_117 = arith.constant 32 : i32
    %scan3A_118 = arith.constant 0 : i32
    %scan3A_119 = arith.constant 0 : i32
    %scan3A_120 = arith.constant 32 : i32
    %scan3A_121 = arith.addi %scan3A_119, %scan3A_120 : i32
    %scan3A_122 = arith.constant 1 : i32
    scf.for %scan3A_124 = %scan3A_119 to %scan3A_121 step %scan3A_122  : i32 {
      %mul3A_125 = arith.constant 16 : i32
      %mul3A_126 = arith.muli %mul3A_125, %scan3A_124 : i32
      %get3A_127 = arith.index_cast %mul3A_126 : i32 to index
      %get3A_128 = tpu.vector_load %arg11[%get3A_127] {strides = array<i32>} : memref<512xf32, #tpu.memory_space<vmem>>, vector<16xf32>,
      %add3A_129 = arith.addf %get3A_128, %get3A_3 : vector<16xf32>
      %swap3A = arith.index_cast %mul3A_126 : i32 to index
      %swap3A_130 = tpu.vector_load %arg11[%swap3A] {strides = array<i32>} : memref<512xf32, #tpu.memory_space<vmem>>, vector<16xf32>,
      tpu.vector_store %arg11[%swap3A], %add3A_129 {strides = array<i32>} : memref<512xf32, #tpu.memory_space<vmem>>, vector<16xf32>,
    }
    %scan3A_123 = arith.constant 32 : i32
    "tpu.region"() ({
      %run_scoped3A = tpu.sem_alloc : memref<!tpu.dma_semaphore, #tpu.memory_space<semaphore_mem>>
      %dma_start3A_124 = tpu.memref_slice %arg5[%mul3A_2] : memref<16384xf32, #tpu.memory_space<hbm>> -> memref<512xf32, #tpu.memory_space<hbm>>
      %dma_start3A_125 = tpu.memref_slice %arg5[%mul3A_2] : memref<16384xf32, #tpu.memory_space<hbm>> -> memref<512xf32, #tpu.memory_space<hbm>>
      tpu.enqueue_dma source(%arg11 : memref<512xf32, #tpu.memory_space<vmem>>) target(%dma_start3A_125 : memref<512xf32, #tpu.memory_space<hbm>>) target_semaphore(%run_scoped3A : memref<!tpu.dma_semaphore, #tpu.memory_space<semaphore_mem>>)
      %dma_wait3A_126 = tpu.memref_slice %arg5[%mul3A_2] : memref<16384xf32, #tpu.memory_space<hbm>> -> memref<512xf32, #tpu.memory_space<hbm>>
      %dma_wait3A_127 = tpu.memref_slice %arg5[%mul3A_2] : memref<16384xf32, #tpu.memory_space<hbm>> -> memref<512xf32, #tpu.memory_space<hbm>>
      tpu.wait_dma2 semaphore(%run_scoped3A : memref<!tpu.dma_semaphore, #tpu.memory_space<semaphore_mem>>) src(%arg11 : memref<512xf32, #tpu.memory_space<vmem>>) dst(%dma_wait3A_127 : memref<512xf32, #tpu.memory_space<hbm>>)
      tpu.yield
    }) : () -> ()
    return
  }
}

module attributes {stable_mosaic.version = 14 : i64} {
  func.func @_project_body(%arg0: i32, %arg1: memref<16x65536xf32, #tpu.memory_space<vmem>>, %arg2: memref<16x1xf32, #tpu.memory_space<vmem>>, %arg3: memref<65536xf32, #tpu.memory_space<vmem>>) attributes {dimension_semantics = [#tpu.dimension_semantics<arbitrary>], iteration_bounds = array<i64: 16>, scalar_prefetch = 0 : i64, scratch_operands = 0 : i64, tpu.core_type = #tpu.core_type<tc>, window_params = [{transform_indices = @transform_0, window_bounds = array<i64: 16, 65536>}, {pipeline_mode = #tpu.pipeline_mode<synchronous>, transform_indices = @transform_1, window_bounds = array<i64: 16, 1>}, {transform_indices = @transform_2, window_bounds = array<i64: 65536>}]} {
    %get3A = arith.constant 0 : index
    %get3A_0 = arith.constant 0 : index
    %get3A_1 = vector.load %arg1[%get3A, %get3A_0] : memref<16x65536xf32, #tpu.memory_space<vmem>>, vector<16x65536xf32>
    %get3A_2 = arith.constant 0 : index
    %get3A_3 = arith.constant 0 : index
    %get3A_4 = vector.load %arg2[%get3A_2, %get3A_3] : memref<16x1xf32, #tpu.memory_space<vmem>>, vector<16x1xf32>
    %mul3A = vector.broadcast %get3A_4 : vector<16x1xf32> to vector<16x65536xf32>
    %mul3A_5 = arith.mulf %get3A_1, %mul3A : vector<16x65536xf32>
    %reduce_sum3A = arith.constant dense<0.000000e+00> : vector<65536xf32>
    %reduce_sum3A_6 = vector.multi_reduction <add>, %mul3A_5, %reduce_sum3A [0] : vector<16x65536xf32> to vector<65536xf32>
    %mul3A_7 = arith.constant 5.000000e-03 : f32
    %mul3A_8 = vector.broadcast %mul3A_7 : f32 to vector<65536xf32>
    %mul3A_9 = arith.mulf %reduce_sum3A_6, %mul3A_8 : vector<65536xf32>
    %swap3A = arith.constant 0 : index
    %swap3A_10 = vector.load %arg3[%swap3A] : memref<65536xf32, #tpu.memory_space<vmem>>, vector<65536xf32>
    tpu.vector_store %arg3[%swap3A], %mul3A_9 {strides = array<i32>} : memref<65536xf32, #tpu.memory_space<vmem>>, vector<65536xf32>,
    return
  }
  func.func @transform_0(%arg0: i32) -> (i32, i32) {
    %c0_i32 = arith.constant 0 : i32
    %c0_i32_0 = arith.constant 0 : i32
    return %c0_i32, %arg0 : i32, i32
  }
  func.func @transform_1(%arg0: i32) -> (i32, i32) {
    %c0_i32 = arith.constant 0 : i32
    %c0_i32_0 = arith.constant 0 : i32
    %c0_i32_1 = arith.constant 0 : i32
    return %c0_i32, %c0_i32_0 : i32, i32
  }
  func.func @transform_2(%arg0: i32) -> i32 {
    %c0_i32 = arith.constant 0 : i32
    return %arg0 : i32
  }
}

</mosaic_0001>

<sc_bundles>
// kernel: kernel.4.cloned.1.call-start
scs
__scs_entry_jumppad:
0x0: {  	(pc) =	sbr.rel $0x88, $3  }
0x1: {  	(tag) =	ssettag $0x0;
	lr =	simm.s32 $0x1  }
0x2: {  	[smem:$0x3F9D] =	sst lr;
	_ =	strace $0xD0000000  }
0x3: {  	_ = 	snop  }
0x4: {  	_ = 	snop  }
0x5: {  	_ = 	snop  }
0x6: {  	_ = 	snop  }
0x7: {  	_ = 	snop  }
__scs_overlays_trampoline_lowered:
0x8: {  	[smem:$0x3FAC] =	sst s0  }
0x9: {  	[smem:$0x3FAD] =	sst s1  }
0xa: {  	[smem:$0x3FAE] =	sst s2  }
0xb: {  	[smem:$0x3FAF] =	sst s3  }
0xc: {  	[smem:$0x3FB0] =	sst s4  }
0xd: {  	[smem:$0x3FB1] =	sst s5  }
0xe: {  	[smem:$0x3FB2] =	sst s6  }
0xf: {  	[smem:$0x3FB3] =	sst s7  }
0x10: {  	[smem:$0x3FB4] =	sst s8  }
0x11: {  	[smem:$0x3FB5] =	sst s9;
	s0 =	simm.s32 @!p0 $0x0  }
0x12: {  	s1 =	sld [smem:$0x3F9B];
	s0 =	simm.s32 @p0 $0x1  }
0x13: {  	[smem:$0x3FB6] =	sst s0;
	s0 =	simm.s32 @!p1 $0x0  }
0x14: {  	s2 =	sld [smem:$0x3F9A];
	s0 =	simm.s32 @p1 $0x1  }
0x15: {  	[smem:$0x3FB7] =	sst s0;
	s0 =	simm.s32 @!p2 $0x0  }
0x16: {  	s3 =	sld [smem:$0x3FDB];
	s0 =	simm.s32 @p2 $0x1  }
0x17: {  	s4 =	simm.s32 $0x1BF5;
	[smem:$0x3FB9] =	sst s0  }
0x18: {  	s0 =	sld [smem:$0x3F9C];
	_ =	swait.ge [sflag:s4], $0x0  }
0x19: {  	s7 =	sld [smem:$0x3F9D]  }
0x1a: {  	s8 =	sadd.s32 $0xFFFFE003, lr  }
0x1b: {  	s9 =	sadd.s32 $0xFFFFFEF7, lr;
	s5 =	simm.s32 $0xFFFFFFFF;
	p2 =	slt.u32 s8, $0xFFFFF086  }
0x1c: {  	p1 =	slt.u32 s9, $0xF7A;
	s5 =	simm.s32 @!p2 $0x0  }
0x1d: {  	s5 =	simm.s32 @p1 $0x1;
	p0 =	seq.s32 s7, s2  }
0x1e: {  	s7 =	smul.u32 @!p0 $0xF7A, s2;
	p2 =	seq.s32 @!p0 s5, $0x0  }
0x1f: {  	s9 =	smul.u32 $0xF7A, s1;
	s8 =	simm.s32 @!p0 $0x1BF5;
	p2 =	por !p2, p0  }
0x20: {  	[sflag:s8] =	ssyncset.s32 @!p0 $0xFFFFF086;
	s6 =	sadd.s32 @!p0 s3, s7;
	s7 =	simm.s32 @!p0 $0x108  }
0x21: {  	s3 =	sadd.s32 s3, s9;
	s6 =	sadd.s32 @!p0 $0x88, s6;
	s7 =	simm.s32 @p2 $0x1082  }
0x22: {  	[simem:s7], [sflag:s8] =	dma.local @!p0 [hbm:s6], $0xF7A  }
0x23: {  	s9 =	sor.u32 $0xD0000000, s2;
	s6 =	simm.s32 $0x108;
	_ =	swait.ge @!p0 [sflag:s8], $0x0  }
0x24: {  	s3 =	sadd.s32 $0x88, s3;
	s6 =	simm.s32 @!p1 $0x1082;
	[sflag:s4] =	ssyncset.s32 $0xFFFFF086  }
0x25: {  	[simem:s6], [sflag:s4] =	dma.local [hbm:s3], $0xF7A  }
0x26: {  	[smem:$0x3F9D] =	sst s1;
	(tag) =	ssettag s2;
	_ =	strace s9  }
0x27: {  	s1 =	sld [smem:$0x3FAD]  }
0x28: {  	s2 =	sld [smem:$0x3FAE]  }
0x29: {  	s4 =	sld [smem:$0x3FB0]  }
0x2a: {  	p0 =	seq.s32 s5, $0x0;
	s5 =	sld [smem:$0x3FB1]  }
0x2b: {  	s6 =	sld [smem:$0x3FB2]  }
0x2c: {  	s7 =	sld [smem:$0x3FB3]  }
0x2d: {  	s3 =	simm.s32 $0x108;
	s8 =	sld [smem:$0x3FB4]  }
0x2e: {  	s3 =	simm.s32 @!p0 $0x1082;
	s9 =	sld [smem:$0x3FB5]  }
0x2f: {  	lr =	sadd.s32 s0, s3;
	s0 =	sld [smem:$0x3FAC]  }
0x30: {  	s3 =	sld [smem:$0x3FAF]  }
0x31: {  	[smem:$0x3FB8] =	sst s10  }
0x32: {  	s10 =	sld [smem:$0x3FB6];
	_ =	sdelay $0x3  }
0x33: {  	p0 =	seq.s32 s10, $0x1;
	s10 =	sld [smem:$0x3FB8];
	_ =	sdelay $0x3  }
0x34: {  	[smem:$0x3FB8] =	sst s10  }
0x35: {  	s10 =	sld [smem:$0x3FB7];
	_ =	sdelay $0x3  }
0x36: {  	p1 =	seq.s32 s10, $0x1;
	s10 =	sld [smem:$0x3FB8];
	_ =	sdelay $0x3  }
0x37: {  	[smem:$0x3FB8] =	sst s10  }
0x38: {  	s10 =	sld [smem:$0x3FB9]  }
0x39: {  	_ = 	snop;
	(pc) =	sbr.ind lr, $3  }
0x3a: {  	_ = 	snop  }
0x3b: {  	_ = 	snop  }
0x3c: {  	p2 =	seq.s32 s10, $0x1;
	s10 =	sld [smem:$0x3FB8]  }
0x3d: {  	_ =	shalt  }
0x3e: {  	_ =	shalt  }
0x3f: {  	_ =	shalt  }
0x40: {  	_ =	shalt  }
0x41: {  	_ =	shalt  }
0x42: {  	_ =	shalt  }
0x43: {  	_ =	shalt  }
0x44: {  	_ =	shalt  }
0x45: {  	_ =	shalt  }
0x46: {  	_ =	shalt  }
0x47: {  	_ =	shalt  }
0x48: {  	_ =	shalt  }
0x49: {  	_ =	shalt  }
0x4a: {  	_ =	shalt  }
0x4b: {  	_ =	shalt  }
0x4c: {  	_ =	shalt  }
0x4d: {  	_ =	shalt  }
0x4e: {  	_ =	shalt  }
0x4f: {  	_ =	shalt  }
0x50: {  	_ =	shalt  }
0x51: {  	_ =	shalt  }
0x52: {  	_ =	shalt  }
0x53: {  	_ =	shalt  }
0x54: {  	_ =	shalt  }
0x55: {  	_ =	shalt  }
0x56: {  	_ =	shalt  }
0x57: {  	_ =	shalt  }
0x58: {  	_ =	shalt  }
0x59: {  	_ =	shalt  }
0x5a: {  	_ =	shalt  }
0x5b: {  	_ =	shalt  }
0x5c: {  	_ =	shalt  }
0x5d: {  	_ =	shalt  }
0x5e: {  	_ =	shalt  }
0x5f: {  	_ =	shalt  }
0x60: {  	_ =	shalt  }
0x61: {  	_ =	shalt  }
0x62: {  	_ =	shalt  }
0x63: {  	_ =	shalt  }
0x64: {  	_ =	shalt  }
0x65: {  	_ =	shalt  }
0x66: {  	_ =	shalt  }
0x67: {  	_ =	shalt  }
0x68: {  	_ =	shalt  }
0x69: {  	_ =	shalt  }
0x6a: {  	_ =	shalt  }
0x6b: {  	_ =	shalt  }
0x6c: {  	_ =	shalt  }
0x6d: {  	_ =	shalt  }
0x6e: {  	_ =	shalt  }
0x6f: {  	_ =	shalt  }
0x70: {  	_ =	shalt  }
0x71: {  	_ =	shalt  }
0x72: {  	_ =	shalt  }
0x73: {  	_ =	shalt  }
0x74: {  	_ =	shalt  }
0x75: {  	_ =	shalt  }
0x76: {  	_ =	shalt  }
0x77: {  	_ =	shalt  }
0x78: {  	_ =	shalt  }
0x79: {  	_ =	shalt  }
0x7a: {  	_ =	shalt  }
0x7b: {  	_ =	shalt  }
0x7c: {  	_ =	shalt  }
0x7d: {  	_ =	shalt  }
0x7e: {  	_ =	shalt  }
0x7f: {  	_ =	shalt  }
0x80: {  	_ =	shalt  }
0x81: {  	_ =	shalt  }
0x82: {  	_ =	shalt  }
0x83: {  	_ =	shalt  }
0x84: {  	_ =	shalt  }
0x85: {  	_ =	shalt  }
0x86: {  	_ =	shalt  }
0x87: {  	_ =	shalt  }
.Lfunc_end0:
.L_simem_size_0:
called_computation_lowered:
.L_overlay_start_0:
0x88: {  	s2 =	sld [smem:$0x3FD9]  }
0x89: {  	s3 =	sld [smem:$0x3FFE];
	_ =	sdelay $0x1  }
0x8a: {  	s1 =	srdreg.scid  }
0x8b: {  	s0 =	sand.u32 $0x1, s1  }
0x8c: {  	s17 =	sshll.u32 s0, $0xA;
	s2 =	sadd.s32 s3, s2  }
0x8d: {  	s2 =	sadd.s32 s2, s17  }
0x8e: {  	[smem:$0x3FC4] =	sst s2  }
0x8f: {  	_ = 	snop  }
0x90: {  	s2 =	sld [smem:$0x3FD0];
	(tm) =	ssettm $0x1  }
0x91: {  	s18 =	sld [smem:$0x3FFB];
	_ =	sdelay $0x3  }
0x92: {  	_ =	strace s18  }
0x93: {  	s3 =	sld [smem:$0x3FFC];
	_ =	sdelay $0x3  }
0x94: {  	_ =	strace s3  }
0x95: {  	s3 =	sld [smem:$0x3FFD];
	_ =	sdelay $0x3  }
0x96: {  	_ =	strace s3  }
0x97: {  	_ =	strace $0x8FFFFFFF  }
0x98: {  	s19 =	sld [smem:$0x3FDB];
	_ =	sdelay $0x1  }
0x99: {  	s4 =	simm.s32 $_scs_section_size  }
0x9a: {  	s5 =	simm.s32 $_size__tile_overlayer_lowered;
	s6 =	simm.s32 $_tile_overlayer_lowered  }
0x9b: {  	s22 =	simm.s32 $0x1BFF;
	s21 =	sshll.u32 s6, $0x1;
	s3 =	sadd.s32 s4, s19  }
0x9c: {  	s7 =	simm.s32 $0x0;
	s20 =	sshll.u32 s5, $0x1;
	s5 =	sadd.s32 s21, s3  }
0x9d: {  	[timem:s7], [sflag:s22] =	dma.local [hbm:s5], s20  }
0x9e: {  	_ =	swait.ge [sflag:s22], s20  }
0x9f: {  	s4 =	ssub.s32 $0x0, s20;
	[sflag:s22] =	ssyncset.done $0x0  }
0xa0: {  	[sflag:s22] =	ssyncadd.s32 s4;
	_ =	sdelay $0x1  }
0xa1: {  	s23 =	simm.s32 $0x1B8B  }
0xa2: {  	_ =	swait.ge [sflag:s23], $0x1  }
0xa3: {  	[sflag:s23] =	ssyncset.done $0x0  }
0xa4: {  	s25 =	simm.s32 $0x1B8E;
	s24 =	sld [smem:$0x3FFE];
	[sflag:s23] =	ssyncadd.s32 $0xFFFFFFFF  }
0xa5: {  	s26 =	simm.s32 $execute0_lowered;
	[smem:$0x3FD2] =	sst s25  }
0xa6: {  	s5 =	sshll.u32 s26, $0x1;
	_ =	strace $0x80000046;
	[dreg:$0x1] =	wrdreg $0xFFFFFFFF  }
0xa7: {  	s28 =	simm.s32 $_size_execute0_lowered;
	s3 =	sadd.s32 s3, s5;
	[dreg:$0x0] =	wrdreg $0x0  }
0xa8: {  	s5 =	sshll.u32 s28, $0x1;
	[dreg:$0x2] =	wrdreg s3  }
0xa9: {  	[dreg:$0x3] =	wrdreg s5  }
0xaa: {  	[dreg:$0x4] =	wrdreg $0xC0  }
0xab: {  	_ =	task [dreg:s7], $0x5FFFF  }
0xac: {  	[dreg:$0x1] =	wrdreg $0xFFFFFFFF  }
0xad: {  	[dreg:$0x0] =	wrdreg $0x60  }
0xae: {  	[dreg:$0x2] =	wrdreg s24  }
0xaf: {  	[dreg:$0x3] =	wrdreg s2  }
0xb0: {  	[dreg:$0x4] =	wrdreg $0x9  }
0xb1: {  	_ =	task.clear_ibuf [dreg:s7], $0x5FFFF;
	_ =	strace $0x90000046  }
0xb2: {  	s29 =	simm.s32 $0x9;
	_ =	strace $0x80000048  }
0xb3: {  	_ =	swait.ge [sflag:s29], $0x1  }
0xb4: {  	[sflag:s29] =	ssyncadd.s32 $0xFFFFFFFF  }
0xb5: {  	_ =	strace $0x90000048  }
0xb6: {  	_ =	sfence  }
0xb7: {  	s30 =	sld [smem:$0x0];
	_ =	sdelay $0x2  }
0xb8: {  	s31 =	sshll.u32 s1, $0xD;
	s1 =	sshrl.u32 s1, $0x2  }
0xb9: {  	s3 =	sand.u32 $0x4000, s31;
	s1 =	sadd.s32 s1, s30  }
0xba: {  	s0 =	sor.u32 s3, s0;
	s1 =	sshll.u32 s1, $0x11  }
0xbb: {  	s0 =	sor.u32 s1, s0  }
0xbc: {  	s0 =	sadd.s32 $0x8F2B, s0  }
0xbd: {  	[sflag:s0] =	ssyncadd.remote.s32 $0x1  }
0xbe: {  	_ =	sfence.sel $0xFFFF  }
0xbf: {  	[dreg:$0x0] =	wrdreg $0xFFFFFFFF;
	(pc) =	sbr.abs _section_cstart, $3  }
0xc0: {  	[dreg:$0x1] =	wrdreg $0xFFFFFFFF  }
0xc1: {  	_ =	task.clear_ibuf [dreg:s7], $0x2FFFF;
	_ =	strace $0x9FFFFFFF  }
0xc2: {  	(tm) =	ssettm $0x7FFFFFFF  }
0xc3: {  	_ =	shalt  }
tec
execute0_lowered:
.L_overlay_start_1:
0x0: {  	(tag) =	ssettag $0x1  }
0x1: {  	s4 =	rddreg [dreg:$0x0]  }
0x2: {  	s5 =	rddreg [dreg:$0x1]  }
0x3: {  	s0 =	rddreg [dreg:$0x2]  }
0x4: {  	s2 =	simm.s32 $0x0;
	s3 =	srdreg.scid;
	s1 =	stileid.u32  }
0x5: {  	s14 =	simm.s32 $0x3;
	s15 =	simm.s32 $0x5000;
	s16 =	simm.s32 $0xA000  }
0x6: {  	s17 =	simm.s32 $0x4;
	s18 =	simm.s32 $0xF000;
	s19 =	simm.s32 $0x1  }
0x7: {  	s20 =	simm.s32 $0x2;
	s21 =	simm.s32 $0x14080;
	s22 =	simm.s32 $0x0  }
0x8: {  	[smem:$0x7FF] =	sst s2;
	s6 =	sand.u32 $0x1, s3;
	s11 =	sadd.s32 $0x600, s4  }
0x9: {  	s7 =	sshll.u32 s1, $0xA;
	s3 =	sadd.s32 $0x64600, s4;
	s8 =	sshll.u32 s6, $0x9  }
0xa: {  	s4 =	sadd.s32 $0x84600, s4;
	s6 =	ssub.s32 $0x2, s6;
	s9 =	sor.u32 s8, s7  }
0xb: {  	_ =	strace $0x80000047;
	s28 =	sshrl.u32 s6, $0x1;
	s8 =	sshrl.u32 s9, $0x3  }
0xc: {  	s6 =	ssub.s32 s6, s28;
	s10 =	sor.u32 $0xA0000, s9;
	s30 =	sor.u32 $0x140000, s9  }
0xd: {  	s12 =	sor.u32 $0x1E0000, s9;
	s13 =	sor.u32 $0x280000, s9;
	s5 =	sadd.s32 s5, s8  }
0xe: {  	s6 =	smax.u32 s6, $0x1;
	s7 =	sadd.s32 s8, s11;
	s29 =	sshrl.u32 s10, $0x3  }
0xf: {  	s10 =	sshrl.u32 s30, $0x3;
	s12 =	sshrl.u32 s12, $0x3;
	s31 =	sshrl.u32 s13, $0x3  }
0x10: {  	s13 =	simm.s32 $0x5;
	s8 =	sadd.s32 s29, s11;
	s9 =	sadd.s32 s10, s11  }
0x11: {  	v0 =	vimm.f32 $0.0e+00;
	s10 =	sadd.s32 s12, s11;
	s11 =	sadd.s32 s31, s11;
	s12 =	simm.s32 $0x14000  }
.LBB2_1:
0x12: {  	[tilespmem:s12], [sflag:$0x5] =	stream.linear.gather [hbm4b:s4+s2], $0x80, $0x38;
	[tilespmem:$0x14280] =	vst v63  }
0x13: {  	_ =	swait.ge [sflag:s13], $0x80  }
0x14: {  	[sflag:s13] =	ssyncset.done $0x0  }
0x15: {  	[sflag:s13] =	ssyncadd.s32 $0xFFFFFF80  }
0x16: {  	[tilespmem:$0x14080] =	vst v0  }
0x17: {  	[tilespmem:$0x14090] =	vst v0  }
0x18: {  	[tilespmem:$0x140A0] =	vst v0  }
0x19: {  	[tilespmem:$0x140B0] =	vst v0  }
0x1a: {  	[tilespmem:$0x140C0] =	vst v0  }
0x1b: {  	[tilespmem:$0x140D0] =	vst v0  }
0x1c: {  	[tilespmem:$0x140E0] =	vst v0  }
0x1d: {  	[tilespmem:$0x140F0] =	vst v0  }
0x1e: {  	[tilespmem:$0x14100] =	vst v0  }
0x1f: {  	[tilespmem:$0x14110] =	vst v0  }
0x20: {  	[tilespmem:$0x14120] =	vst v0  }
0x21: {  	[tilespmem:$0x14130] =	vst v0  }
0x22: {  	[tilespmem:$0x14140] =	vst v0  }
0x23: {  	[tilespmem:$0x14150] =	vst v0  }
0x24: {  	[tilespmem:$0x14160] =	vst v0  }
0x25: {  	[tilespmem:$0x14170] =	vst v0  }
0x26: {  	[tilespmem:$0x14180] =	vst v0  }
0x27: {  	[tilespmem:$0x14190] =	vst v0  }
0x28: {  	[tilespmem:$0x141A0] =	vst v0  }
0x29: {  	[tilespmem:$0x141B0] =	vst v0  }
0x2a: {  	[tilespmem:$0x141C0] =	vst v0  }
0x2b: {  	[tilespmem:$0x141D0] =	vst v0  }
0x2c: {  	[tilespmem:$0x141E0] =	vst v0  }
0x2d: {  	[tilespmem:$0x141F0] =	vst v0  }
0x2e: {  	[tilespmem:$0x14200] =	vst v0  }
0x2f: {  	[tilespmem:$0x14210] =	vst v0  }
0x30: {  	[tilespmem:$0x14220] =	vst v0  }
0x31: {  	[tilespmem:$0x14230] =	vst v0  }
0x32: {  	[tilespmem:$0x14240] =	vst v0  }
0x33: {  	[tilespmem:$0x14250] =	vst v0  }
0x34: {  	[tilespmem:$0x14260] =	vst v0  }
0x35: {  	s23 =	simm.s32 $0x800;
	s24 =	simm.s32 $0x0;
	s25 =	sadd.s32 $0x0, s7;
	v1 =	vld [tilespmem:$0x14000];
	[tilespmem:$0x14270] =	vst v0  }
.LBB2_2:
0x36: {  	[tilespmem:s24], [sflag:$0x3] =	stream.linear.gather [hbm4b:s25+s2], $0x200, $0x38;
	[tilespmem:$0x14280] =	vst v63  }
0x37: {  	s25 =	smov.u32 s23;
	p0 =	sne.s32 s23, $0x13800  }
.Ltmp0:
0x38: {  	s23 =	sadd.s32 $0x800, s23;
	(pc) =	sbr.rel @p0 .LBB2_2-.Ltmp0, $2  }
0x39: {  	_ =	sdelay $0x2  }
0x3a: {  	s24 =	sshra.s32 s25, $0x2;
	s25 =	sadd.s32 s25, s7  }
0x3b: {  	[tilespmem:s24], [sflag:$0x3] =	stream.linear.gather [hbm4b:s25+s2], $0x200, $0x38;
	[tilespmem:$0x14280] =	vst v63  }
0x3c: {  	_ =	swait.ge [sflag:s14], $0x5000  }
0x3d: {  	[sflag:s14] =	ssyncset.done $0x0  }
0x3e: {  	s23 =	simm.s32 $0x0;
	[sflag:s14] =	ssyncadd.s32 $0xFFFFB000  }
0x3f: {  	[tilespmem:s16], [sflag:$0x1] =	stream.indirect.gather [hbm4b:s3+s15], $0x1, s23, s15, $0xb8;
	[tilespmem:$0x14280] =	vst v63  }
0x40: {  	s24 =	simm.s32 $0x5000;
	s25 =	sadd.s32 $0x0, s8;
	s23 =	simm.s32 $0x800  }
.LBB2_4:
0x41: {  	[tilespmem:s24], [sflag:$0x4] =	stream.linear.gather [hbm4b:s25+s2], $0x200, $0x38;
	[tilespmem:$0x14280] =	vst v63  }
0x42: {  	s25 =	smov.u32 s23;
	p0 =	sne.s32 s23, $0x13800  }
.Ltmp1:
0x43: {  	s23 =	sadd.s32 $0x800, s23;
	(pc) =	sbr.rel @p0 .LBB2_4-.Ltmp1, $3  }
0x44: {  	_ =	sdelay $0x1  }
0x45: {  	s24 =	sshra.s32 s25, $0x2  }
0x46: {  	s25 =	sadd.s32 s25, s8;
	s24 =	sadd.s32 $0x5000, s24  }
0x47: {  	[tilespmem:s24], [sflag:$0x4] =	stream.linear.gather [hbm4b:s25+s2], $0x200, $0x38;
	[tilespmem:$0x14280] =	vst v63  }
0x48: {  	_ =	swait.ge [sflag:s17], $0x5000  }
0x49: {  	[sflag:s17] =	ssyncset.done $0x0  }
0x4a: {  	[sflag:s17] =	ssyncadd.s32 $0xFFFFB000  }
0x4b: {  	[tilespmem:s18], [sflag:$0x2] =	stream.indirect.gather [hbm4b:s3+s15], $0x1, s15, s15, $0xb8;
	[tilespmem:$0x14280] =	vst v63  }
0x4c: {  	_ =	swait.ge [sflag:s19], $0x5000  }
0x4d: {  	s23 =	simm.s32 $0x0;
	[sflag:s19] =	ssyncset.done $0x0  }
0x4e: {  	s23 =	sand.u32 $0x1F0, s23;
	[sflag:s19] =	ssyncadd.s32 $0xFFFFB000  }
0x4f: {  	v2 =	vld [tilespmem:s23+$0xA000];
	_ =	sdelay $0x1  }
0x50: {  	v3 =	vld [tilespmem:s23+$0xA200];
	_ =	sdelay $0x1  }
0x51: {  	v4 =	vld [tilespmem:s23+$0xA400]  }
0x52: {  	v2 =	vadd.f32 $0.0e+00, v2  }
0x53: {  	v5 =	vld [tilespmem:s23+$0xA600]  }
0x54: {  	v2 =	vadd.f32 v3, v2  }
0x55: {  	v3 =	vld [tilespmem:s23+$0xA800]  }
0x56: {  	v2 =	vadd.f32 v4, v2  }
0x57: {  	v40 =	vld [tilespmem:s23+$0xAA00]  }
0x58: {  	v2 =	vadd.f32 v5, v2  }
0x59: {  	v41 =	vld [tilespmem:s23+$0xAC00]  }
0x5a: {  	v2 =	vadd.f32 v3, v2  }
0x5b: {  	v3 =	vld [tilespmem:s23+$0xAE00]  }
0x5c: {  	v2 =	vadd.f32 v40, v2  }
0x5d: {  	v42 =	vld [tilespmem:s23+$0xB000]  }
0x5e: {  	v2 =	vadd.f32 v41, v2  }
0x5f: {  	v43 =	vld [tilespmem:s23+$0xB200]  }
0x60: {  	v2 =	vadd.f32 v3, v2  }
0x61: {  	v3 =	vld [tilespmem:s23+$0xB400]  }
0x62: {  	v2 =	vadd.f32 v42, v2  }
0x63: {  	v44 =	vld [tilespmem:s23+$0xB600]  }
0x64: {  	v2 =	vadd.f32 v43, v2  }
0x65: {  	v45 =	vld [tilespmem:s23+$0xB800]  }
0x66: {  	v2 =	vadd.f32 v3, v2  }
0x67: {  	v3 =	vld [tilespmem:s23+$0xBA00]  }
0x68: {  	v2 =	vadd.f32 v44, v2  }
0x69: {  	v46 =	vld [tilespmem:s23+$0xBC00]  }
0x6a: {  	v2 =	vadd.f32 v45, v2  }
0x6b: {  	v47 =	vld [tilespmem:s23+$0xBE00]  }
0x6c: {  	v2 =	vadd.f32 v3, v2  }
0x6d: {  	v3 =	vld [tilespmem:s23+$0xC000]  }
0x6e: {  	v2 =	vadd.f32 v46, v2  }
0x6f: {  	v48 =	vld [tilespmem:s23+$0xC200]  }
0x70: {  	v2 =	vadd.f32 v47, v2  }
0x71: {  	v49 =	vld [tilespmem:s23+$0xC400]  }
0x72: {  	v2 =	vadd.f32 v3, v2  }
0x73: {  	v3 =	vld [tilespmem:s23+$0xC600]  }
0x74: {  	v2 =	vadd.f32 v48, v2  }
0x75: {  	v50 =	vld [tilespmem:s23+$0xC800]  }
0x76: {  	v2 =	vadd.f32 v49, v2  }
0x77: {  	v51 =	vld [tilespmem:s23+$0xCA00]  }
0x78: {  	v2 =	vadd.f32 v3, v2  }
0x79: {  	v3 =	vld [tilespmem:s23+$0xCC00]  }
0x7a: {  	v2 =	vadd.f32 v50, v2  }
0x7b: {  	v52 =	vld [tilespmem:s23+$0xCE00]  }
0x7c: {  	v2 =	vadd.f32 v51, v2  }
0x7d: {  	v53 =	vld [tilespmem:s23+$0xD000]  }
0x7e: {  	v2 =	vadd.f32 v3, v2  }
0x7f: {  	v3 =	vld [tilespmem:s23+$0xD200]  }
0x80: {  	v2 =	vadd.f32 v52, v2  }
0x81: {  	v54 =	vld [tilespmem:s23+$0xD400]  }
0x82: {  	v2 =	vadd.f32 v53, v2  }
0x83: {  	v55 =	vld [tilespmem:s23+$0xD600]  }
0x84: {  	v2 =	vadd.f32 v3, v2  }
0x85: {  	v3 =	vld [tilespmem:s23+$0xD800]  }
0x86: {  	v2 =	vadd.f32 v54, v2  }
0x87: {  	v56 =	vld [tilespmem:s23+$0xDA00]  }
0x88: {  	v2 =	vadd.f32 v55, v2  }
0x89: {  	v57 =	vld [tilespmem:s23+$0xDC00]  }
0x8a: {  	v2 =	vadd.f32 v3, v2  }
0x8b: {  	v3 =	vld [tilespmem:s23+$0xDE00]  }
0x8c: {  	v2 =	vadd.f32 v56, v2  }
0x8d: {  	v58 =	vld [tilespmem:s23+$0xE000]  }
0x8e: {  	v2 =	vadd.f32 v57, v2  }
0x8f: {  	v59 =	vld [tilespmem:s23+$0xE200]  }
0x90: {  	v2 =	vadd.f32 v3, v2  }
0x91: {  	v3 =	vld [tilespmem:s23+$0xE400]  }
0x92: {  	v2 =	vadd.f32 v58, v2  }
0x93: {  	v60 =	vld [tilespmem:s23+$0xE600]  }
0x94: {  	v2 =	vadd.f32 v59, v2  }
0x95: {  	v61 =	vld [tilespmem:s23+$0xE800]  }
0x96: {  	v2 =	vadd.f32 v3, v2  }
0x97: {  	v3 =	vld [tilespmem:s23+$0xEA00]  }
0x98: {  	v2 =	vadd.f32 v60, v2  }
0x99: {  	v62 =	vld [tilespmem:s23+$0xEC00]  }
0x9a: {  	v2 =	vadd.f32 v61, v2  }
0x9b: {  	v63 =	vld [tilespmem:s23+$0xEE00]  }
0x9c: {  	s23 =	simm.s32 $0x14080;
	v2 =	vadd.f32 v3, v2  }
0x9d: {  	v3 =	vld [tilespmem:s23+$0x0]  }
0x9e: {  	v2 =	vadd.f32 v62, v2;
	_ =	sdelay $0x1  }
0x9f: {  	v2 =	vadd.f32 v63, v2;
	_ =	sdelay $0x1  }
0xa0: {  	v2 =	vadd.f32 v3, v2  }
0xa1: {  	s31 =	simm.s32 $0x10  }
0xa2: {  	s25 =	simm.s32 $0x20;
	s24 =	sand.u32 $0x1F0, s31;
	[tilespmem:s23+$0x0] =	vst v2  }
.LBB2_6:
0xa3: {  	p0 =	sne.s32 s25, $0x1F0;
	v2 =	vld [tilespmem:s24+$0xA000];
	_ =	sdelay $0x1  }
0xa4: {  	v3 =	vld [tilespmem:s24+$0xA200];
	_ =	sdelay $0x1  }
0xa5: {  	v4 =	vld [tilespmem:s24+$0xA400]  }
0xa6: {  	v2 =	vadd.f32 $0.0e+00, v2  }
0xa7: {  	v5 =	vld [tilespmem:s24+$0xA600]  }
0xa8: {  	v2 =	vadd.f32 v3, v2  }
0xa9: {  	v3 =	vld [tilespmem:s24+$0xA800]  }
0xaa: {  	v2 =	vadd.f32 v4, v2  }
0xab: {  	v4 =	vld [tilespmem:s24+$0xAA00]  }
0xac: {  	v2 =	vadd.f32 v5, v2  }
0xad: {  	v5 =	vld [tilespmem:s24+$0xAC00]  }
0xae: {  	v2 =	vadd.f32 v3, v2  }
0xaf: {  	v3 =	vld [tilespmem:s24+$0xAE00]  }
0xb0: {  	v2 =	vadd.f32 v4, v2  }
0xb1: {  	v4 =	vld [tilespmem:s24+$0xB000]  }
0xb2: {  	v2 =	vadd.f32 v5, v2  }
0xb3: {  	v5 =	vld [tilespmem:s24+$0xB200]  }
0xb4: {  	v2 =	vadd.f32 v3, v2  }
0xb5: {  	v3 =	vld [tilespmem:s24+$0xB400]  }
0xb6: {  	v2 =	vadd.f32 v4, v2  }
0xb7: {  	v4 =	vld [tilespmem:s24+$0xB600]  }
0xb8: {  	v2 =	vadd.f32 v5, v2  }
0xb9: {  	v5 =	vld [tilespmem:s24+$0xB800]  }
0xba: {  	v2 =	vadd.f32 v3, v2  }
0xbb: {  	v3 =	vld [tilespmem:s24+$0xBA00]  }
0xbc: {  	v2 =	vadd.f32 v4, v2  }
0xbd: {  	v4 =	vld [tilespmem:s24+$0xBC00]  }
0xbe: {  	v2 =	vadd.f32 v5, v2  }
0xbf: {  	v5 =	vld [tilespmem:s24+$0xBE00]  }
0xc0: {  	v2 =	vadd.f32 v3, v2  }
0xc1: {  	v3 =	vld [tilespmem:s24+$0xC000]  }
0xc2: {  	v2 =	vadd.f32 v4, v2  }
0xc3: {  	v4 =	vld [tilespmem:s24+$0xC200]  }
0xc4: {  	v2 =	vadd.f32 v5, v2  }
0xc5: {  	v5 =	vld [tilespmem:s24+$0xC400]  }
0xc6: {  	v2 =	vadd.f32 v3, v2  }
0xc7: {  	v3 =	vld [tilespmem:s24+$0xC600]  }
0xc8: {  	v2 =	vadd.f32 v4, v2  }
0xc9: {  	v4 =	vld [tilespmem:s24+$0xC800]  }
0xca: {  	v2 =	vadd.f32 v5, v2  }
0xcb: {  	v5 =	vld [tilespmem:s24+$0xCA00]  }
0xcc: {  	v2 =	vadd.f32 v3, v2  }
0xcd: {  	v3 =	vld [tilespmem:s24+$0xCC00]  }
0xce: {  	v2 =	vadd.f32 v4, v2  }
0xcf: {  	v4 =	vld [tilespmem:s24+$0xCE00]  }
0xd0: {  	v2 =	vadd.f32 v5, v2  }
0xd1: {  	v5 =	vld [tilespmem:s24+$0xD000]  }
0xd2: {  	v2 =	vadd.f32 v3, v2  }
0xd3: {  	v3 =	vld [tilespmem:s24+$0xD200]  }
0xd4: {  	v2 =	vadd.f32 v4, v2  }
0xd5: {  	v4 =	vld [tilespmem:s24+$0xD400]  }
0xd6: {  	v2 =	vadd.f32 v5, v2  }
0xd7: {  	v5 =	vld [tilespmem:s24+$0xD600]  }
0xd8: {  	v2 =	vadd.f32 v3, v2  }
0xd9: {  	v3 =	vld [tilespmem:s24+$0xD800]  }
0xda: {  	v2 =	vadd.f32 v4, v2  }
0xdb: {  	v4 =	vld [tilespmem:s24+$0xDA00]  }
0xdc: {  	v2 =	vadd.f32 v5, v2  }
0xdd: {  	v5 =	vld [tilespmem:s24+$0xDC00]  }
0xde: {  	v2 =	vadd.f32 v3, v2  }
0xdf: {  	v3 =	vld [tilespmem:s24+$0xDE00]  }
0xe0: {  	v2 =	vadd.f32 v4, v2  }
0xe1: {  	v4 =	vld [tilespmem:s24+$0xE000]  }
0xe2: {  	v2 =	vadd.f32 v5, v2  }
0xe3: {  	v5 =	vld [tilespmem:s24+$0xE200]  }
0xe4: {  	v2 =	vadd.f32 v3, v2  }
0xe5: {  	v3 =	vld [tilespmem:s24+$0xE400]  }
0xe6: {  	v2 =	vadd.f32 v4, v2  }
0xe7: {  	v4 =	vld [tilespmem:s24+$0xE600]  }
0xe8: {  	v2 =	vadd.f32 v5, v2  }
0xe9: {  	v5 =	vld [tilespmem:s24+$0xE800]  }
0xea: {  	v2 =	vadd.f32 v3, v2  }
0xeb: {  	v3 =	vld [tilespmem:s24+$0xEA00]  }
0xec: {  	v2 =	vadd.f32 v4, v2  }
0xed: {  	v4 =	vld [tilespmem:s24+$0xEC00]  }
0xee: {  	v2 =	vadd.f32 v5, v2  }
0xef: {  	v5 =	vld [tilespmem:s24+$0xEE00]  }
0xf0: {  	s23 =	sadd.s32 $0x10, s23;
	v2 =	vadd.f32 v3, v2  }
0xf1: {  	v3 =	vld [tilespmem:s23+$0x0]  }
0xf2: {  	v2 =	vadd.f32 v4, v2;
	_ =	sdelay $0x1  }
.Ltmp2:
0xf3: {  	v2 =	vadd.f32 v5, v2;
	(pc) =	sbr.rel @p0 .LBB2_6-.Ltmp2, $3  }
0xf4: {  	_ = 	snop  }
0xf5: {  	v2 =	vadd.f32 v3, v2;
	_ =	sdelay $0x1  }
0xf6: {  	s24 =	sand.u32 $0x1F0, s25;
	s25 =	sadd.s32 $0x10, s25;
	[tilespmem:s23+$0x0] =	vst v2  }
0xf7: {  	v2 =	vld [tilespmem:s24+$0xA000];
	_ =	sdelay $0x1  }
0xf8: {  	v3 =	vld [tilespmem:s24+$0xA200];
	_ =	sdelay $0x1  }
0xf9: {  	v4 =	vld [tilespmem:s24+$0xA400]  }
0xfa: {  	v2 =	vadd.f32 $0.0e+00, v2  }
0xfb: {  	v5 =	vld [tilespmem:s24+$0xA600]  }
0xfc: {  	v2 =	vadd.f32 v3, v2  }
0xfd: {  	v3 =	vld [tilespmem:s24+$0xA800]  }
0xfe: {  	v2 =	vadd.f32 v4, v2  }
0xff: {  	v40 =	vld [tilespmem:s24+$0xAA00]  }
0x100: {  	v2 =	vadd.f32 v5, v2  }
0x101: {  	v41 =	vld [tilespmem:s24+$0xAC00]  }
0x102: {  	v2 =	vadd.f32 v3, v2  }
0x103: {  	v3 =	vld [tilespmem:s24+$0xAE00]  }
0x104: {  	v2 =	vadd.f32 v40, v2  }
0x105: {  	v42 =	vld [tilespmem:s24+$0xB000]  }
0x106: {  	v2 =	vadd.f32 v41, v2  }
0x107: {  	v43 =	vld [tilespmem:s24+$0xB200]  }
0x108: {  	v2 =	vadd.f32 v3, v2  }
0x109: {  	v3 =	vld [tilespmem:s24+$0xB400]  }
0x10a: {  	v2 =	vadd.f32 v42, v2  }
0x10b: {  	v44 =	vld [tilespmem:s24+$0xB600]  }
0x10c: {  	v2 =	vadd.f32 v43, v2  }
0x10d: {  	v45 =	vld [tilespmem:s24+$0xB800]  }
0x10e: {  	v2 =	vadd.f32 v3, v2  }
0x10f: {  	v3 =	vld [tilespmem:s24+$0xBA00]  }
0x110: {  	v2 =	vadd.f32 v44, v2  }
0x111: {  	v46 =	vld [tilespmem:s24+$0xBC00]  }
0x112: {  	v2 =	vadd.f32 v45, v2  }
0x113: {  	v47 =	vld [tilespmem:s24+$0xBE00]  }
0x114: {  	v2 =	vadd.f32 v3, v2  }
0x115: {  	v3 =	vld [tilespmem:s24+$0xC000]  }
0x116: {  	v2 =	vadd.f32 v46, v2  }
0x117: {  	v48 =	vld [tilespmem:s24+$0xC200]  }
0x118: {  	v2 =	vadd.f32 v47, v2  }
0x119: {  	v49 =	vld [tilespmem:s24+$0xC400]  }
0x11a: {  	v2 =	vadd.f32 v3, v2  }
0x11b: {  	v3 =	vld [tilespmem:s24+$0xC600]  }
0x11c: {  	v2 =	vadd.f32 v48, v2  }
0x11d: {  	v50 =	vld [tilespmem:s24+$0xC800]  }
0x11e: {  	v2 =	vadd.f32 v49, v2  }
0x11f: {  	v51 =	vld [tilespmem:s24+$0xCA00]  }
0x120: {  	v2 =	vadd.f32 v3, v2  }
0x121: {  	v3 =	vld [tilespmem:s24+$0xCC00]  }
0x122: {  	v2 =	vadd.f32 v50, v2  }
0x123: {  	v52 =	vld [tilespmem:s24+$0xCE00]  }
0x124: {  	v2 =	vadd.f32 v51, v2  }
0x125: {  	v53 =	vld [tilespmem:s24+$0xD000]  }
0x126: {  	v2 =	vadd.f32 v3, v2  }
0x127: {  	v3 =	vld [tilespmem:s24+$0xD200]  }
0x128: {  	v2 =	vadd.f32 v52, v2  }
0x129: {  	v54 =	vld [tilespmem:s24+$0xD400]  }
0x12a: {  	v2 =	vadd.f32 v53, v2  }
0x12b: {  	v55 =	vld [tilespmem:s24+$0xD600]  }
0x12c: {  	v2 =	vadd.f32 v3, v2  }
0x12d: {  	v3 =	vld [tilespmem:s24+$0xD800]  }
0x12e: {  	v2 =	vadd.f32 v54, v2  }
0x12f: {  	v56 =	vld [tilespmem:s24+$0xDA00]  }
0x130: {  	v2 =	vadd.f32 v55, v2  }
0x131: {  	v57 =	vld [tilespmem:s24+$0xDC00]  }
0x132: {  	v2 =	vadd.f32 v3, v2  }
0x133: {  	v3 =	vld [tilespmem:s24+$0xDE00]  }
0x134: {  	v2 =	vadd.f32 v56, v2  }
0x135: {  	v58 =	vld [tilespmem:s24+$0xE000]  }
0x136: {  	v2 =	vadd.f32 v57, v2  }
0x137: {  	v59 =	vld [tilespmem:s24+$0xE200]  }
0x138: {  	v2 =	vadd.f32 v3, v2  }
0x139: {  	v3 =	vld [tilespmem:s24+$0xE400]  }
0x13a: {  	v2 =	vadd.f32 v58, v2  }
0x13b: {  	v60 =	vld [tilespmem:s24+$0xE600]  }
0x13c: {  	v2 =	vadd.f32 v59, v2  }
0x13d: {  	v61 =	vld [tilespmem:s24+$0xE800]  }
0x13e: {  	v2 =	vadd.f32 v3, v2  }
0x13f: {  	v3 =	vld [tilespmem:s24+$0xEA00]  }
0x140: {  	v2 =	vadd.f32 v60, v2  }
0x141: {  	v62 =	vld [tilespmem:s24+$0xEC00]  }
0x142: {  	v2 =	vadd.f32 v61, v2  }
0x143: {  	v63 =	vld [tilespmem:s24+$0xEE00]  }
0x144: {  	s23 =	sadd.s32 $0x10, s23;
	v2 =	vadd.f32 v3, v2  }
0x145: {  	v3 =	vld [tilespmem:s23+$0x0]  }
0x146: {  	v2 =	vadd.f32 v62, v2;
	_ =	sdelay $0x1  }
0x147: {  	v2 =	vadd.f32 v63, v2;
	_ =	sdelay $0x1  }
0x148: {  	v2 =	vadd.f32 v3, v2;
	_ =	sdelay $0x1  }
0x149: {  	s25 =	sadd.s32 $0x0, s9;
	s24 =	simm.s32 $0x0;
	[tilespmem:s23+$0x0] =	vst v2;
	s23 =	simm.s32 $0x800  }
.LBB2_8:
0x14a: {  	[tilespmem:s24], [sflag:$0x3] =	stream.linear.gather [hbm4b:s25+s2], $0x200, $0x38;
	[tilespmem:$0x14280] =	vst v63  }
0x14b: {  	s25 =	smov.u32 s23;
	p0 =	sne.s32 s23, $0x13800  }
.Ltmp3:
0x14c: {  	s23 =	sadd.s32 $0x800, s23;
	(pc) =	sbr.rel @p0 .LBB2_8-.Ltmp3, $2  }
0x14d: {  	_ =	sdelay $0x2  }
0x14e: {  	s24 =	sshra.s32 s25, $0x2;
	s25 =	sadd.s32 s25, s9  }
0x14f: {  	[tilespmem:s24], [sflag:$0x3] =	stream.linear.gather [hbm4b:s25+s2], $0x200, $0x38;
	[tilespmem:$0x14280] =	vst v63  }
0x150: {  	_ =	swait.ge [sflag:s14], $0x5000  }
0x151: {  	[sflag:s14] =	ssyncset.done $0x0  }
0x152: {  	s23 =	simm.s32 $0x0;
	[sflag:s14] =	ssyncadd.s32 $0xFFFFB000  }
0x153: {  	[tilespmem:s16], [sflag:$0x1] =	stream.indirect.gather [hbm4b:s3+s15], $0x1, s23, s15, $0xb8;
	[tilespmem:$0x14280] =	vst v63  }
0x154: {  	_ =	swait.ge [sflag:s20], $0x5000  }
0x155: {  	[sflag:s20] =	ssyncset.done $0x0  }
0x156: {  	s23 =	sand.u32 $0x1F0, s23;
	[sflag:s20] =	ssyncadd.s32 $0xFFFFB000  }
0x157: {  	v2 =	vld [tilespmem:s23+$0xF000];
	_ =	sdelay $0x1  }
0x158: {  	v3 =	vld [tilespmem:s23+$0xF200];
	_ =	sdelay $0x1  }
0x159: {  	v4 =	vld [tilespmem:s23+$0xF400]  }
0x15a: {  	v2 =	vadd.f32 $0.0e+00, v2  }
0x15b: {  	v5 =	vld [tilespmem:s23+$0xF600]  }
0x15c: {  	v2 =	vadd.f32 v3, v2  }
0x15d: {  	v3 =	vld [tilespmem:s23+$0xF800]  }
0x15e: {  	v2 =	vadd.f32 v4, v2  }
0x15f: {  	v40 =	vld [tilespmem:s23+$0xFA00]  }
0x160: {  	v2 =	vadd.f32 v5, v2  }
0x161: {  	v41 =	vld [tilespmem:s23+$0xFC00]  }
0x162: {  	v2 =	vadd.f32 v3, v2  }
0x163: {  	v3 =	vld [tilespmem:s23+$0xFE00]  }
0x164: {  	v2 =	vadd.f32 v40, v2  }
0x165: {  	v42 =	vld [tilespmem:s23+$0x10000]  }
0x166: {  	v2 =	vadd.f32 v41, v2  }
0x167: {  	v43 =	vld [tilespmem:s23+$0x10200]  }
0x168: {  	v2 =	vadd.f32 v3, v2  }
0x169: {  	v3 =	vld [tilespmem:s23+$0x10400]  }
0x16a: {  	v2 =	vadd.f32 v42, v2  }
0x16b: {  	v44 =	vld [tilespmem:s23+$0x10600]  }
0x16c: {  	v2 =	vadd.f32 v43, v2  }
0x16d: {  	v45 =	vld [tilespmem:s23+$0x10800]  }
0x16e: {  	v2 =	vadd.f32 v3, v2  }
0x16f: {  	v3 =	vld [tilespmem:s23+$0x10A00]  }
0x170: {  	v2 =	vadd.f32 v44, v2  }
0x171: {  	v46 =	vld [tilespmem:s23+$0x10C00]  }
0x172: {  	v2 =	vadd.f32 v45, v2  }
0x173: {  	v47 =	vld [tilespmem:s23+$0x10E00]  }
0x174: {  	v2 =	vadd.f32 v3, v2  }
0x175: {  	v3 =	vld [tilespmem:s23+$0x11000]  }
0x176: {  	v2 =	vadd.f32 v46, v2  }
0x177: {  	v48 =	vld [tilespmem:s23+$0x11200]  }
0x178: {  	v2 =	vadd.f32 v47, v2  }
0x179: {  	v49 =	vld [tilespmem:s23+$0x11400]  }
0x17a: {  	v2 =	vadd.f32 v3, v2  }
0x17b: {  	v3 =	vld [tilespmem:s23+$0x11600]  }
0x17c: {  	v2 =	vadd.f32 v48, v2  }
0x17d: {  	v50 =	vld [tilespmem:s23+$0x11800]  }
0x17e: {  	v2 =	vadd.f32 v49, v2  }
0x17f: {  	v51 =	vld [tilespmem:s23+$0x11A00]  }
0x180: {  	v2 =	vadd.f32 v3, v2  }
0x181: {  	v3 =	vld [tilespmem:s23+$0x11C00]  }
0x182: {  	v2 =	vadd.f32 v50, v2  }
0x183: {  	v52 =	vld [tilespmem:s23+$0x11E00]  }
0x184: {  	v2 =	vadd.f32 v51, v2  }
0x185: {  	v53 =	vld [tilespmem:s23+$0x12000]  }
0x186: {  	v2 =	vadd.f32 v3, v2  }
0x187: {  	v3 =	vld [tilespmem:s23+$0x12200]  }
0x188: {  	v2 =	vadd.f32 v52, v2  }
0x189: {  	v54 =	vld [tilespmem:s23+$0x12400]  }
0x18a: {  	v2 =	vadd.f32 v53, v2  }
0x18b: {  	v55 =	vld [tilespmem:s23+$0x12600]  }
0x18c: {  	v2 =	vadd.f32 v3, v2  }
0x18d: {  	v3 =	vld [tilespmem:s23+$0x12800]  }
0x18e: {  	v2 =	vadd.f32 v54, v2  }
0x18f: {  	v56 =	vld [tilespmem:s23+$0x12A00]  }
0x190: {  	v2 =	vadd.f32 v55, v2  }
0x191: {  	v57 =	vld [tilespmem:s23+$0x12C00]  }
0x192: {  	v2 =	vadd.f32 v3, v2  }
0x193: {  	v3 =	vld [tilespmem:s23+$0x12E00]  }
0x194: {  	v2 =	vadd.f32 v56, v2  }
0x195: {  	v58 =	vld [tilespmem:s23+$0x13000]  }
0x196: {  	v2 =	vadd.f32 v57, v2  }
0x197: {  	v59 =	vld [tilespmem:s23+$0x13200]  }
0x198: {  	v2 =	vadd.f32 v3, v2  }
0x199: {  	v3 =	vld [tilespmem:s23+$0x13400]  }
0x19a: {  	v2 =	vadd.f32 v58, v2  }
0x19b: {  	v60 =	vld [tilespmem:s23+$0x13600]  }
0x19c: {  	v2 =	vadd.f32 v59, v2  }
0x19d: {  	v61 =	vld [tilespmem:s23+$0x13800]  }
0x19e: {  	v2 =	vadd.f32 v3, v2  }
0x19f: {  	v3 =	vld [tilespmem:s23+$0x13A00]  }
0x1a0: {  	v2 =	vadd.f32 v60, v2  }
0x1a1: {  	v62 =	vld [tilespmem:s23+$0x13C00]  }
0x1a2: {  	v2 =	vadd.f32 v61, v2  }
0x1a3: {  	v63 =	vld [tilespmem:s23+$0x13E00]  }
0x1a4: {  	s23 =	simm.s32 $0x14080;
	v2 =	vadd.f32 v3, v2  }
0x1a5: {  	v3 =	vld [tilespmem:s23+$0x0]  }
0x1a6: {  	v2 =	vadd.f32 v62, v2;
	_ =	sdelay $0x1  }
0x1a7: {  	v2 =	vadd.f32 v63, v2;
	_ =	sdelay $0x1  }
0x1a8: {  	v2 =	vadd.f32 v3, v2  }
0x1a9: {  	s31 =	simm.s32 $0x10  }
0x1aa: {  	s25 =	simm.s32 $0x20;
	s24 =	sand.u32 $0x1F0, s31;
	[tilespmem:s23+$0x0] =	vst v2  }
.LBB2_10:
0x1ab: {  	p0 =	sne.s32 s25, $0x1F0;
	v2 =	vld [tilespmem:s24+$0xF000];
	_ =	sdelay $0x1  }
0x1ac: {  	v3 =	vld [tilespmem:s24+$0xF200];
	_ =	sdelay $0x1  }
0x1ad: {  	v4 =	vld [tilespmem:s24+$0xF400]  }
0x1ae: {  	v2 =	vadd.f32 $0.0e+00, v2  }
0x1af: {  	v5 =	vld [tilespmem:s24+$0xF600]  }
0x1b0: {  	v2 =	vadd.f32 v3, v2  }
0x1b1: {  	v3 =	vld [tilespmem:s24+$0xF800]  }
0x1b2: {  	v2 =	vadd.f32 v4, v2  }
0x1b3: {  	v4 =	vld [tilespmem:s24+$0xFA00]  }
0x1b4: {  	v2 =	vadd.f32 v5, v2  }
0x1b5: {  	v5 =	vld [tilespmem:s24+$0xFC00]  }
0x1b6: {  	v2 =	vadd.f32 v3, v2  }
0x1b7: {  	v3 =	vld [tilespmem:s24+$0xFE00]  }
0x1b8: {  	v2 =	vadd.f32 v4, v2  }
0x1b9: {  	v4 =	vld [tilespmem:s24+$0x10000]  }
0x1ba: {  	v2 =	vadd.f32 v5, v2  }
0x1bb: {  	v5 =	vld [tilespmem:s24+$0x10200]  }
0x1bc: {  	v2 =	vadd.f32 v3, v2  }
0x1bd: {  	v3 =	vld [tilespmem:s24+$0x10400]  }
0x1be: {  	v2 =	vadd.f32 v4, v2  }
0x1bf: {  	v4 =	vld [tilespmem:s24+$0x10600]  }
0x1c0: {  	v2 =	vadd.f32 v5, v2  }
0x1c1: {  	v5 =	vld [tilespmem:s24+$0x10800]  }
0x1c2: {  	v2 =	vadd.f32 v3, v2  }
0x1c3: {  	v3 =	vld [tilespmem:s24+$0x10A00]  }
0x1c4: {  	v2 =	vadd.f32 v4, v2  }
0x1c5: {  	v4 =	vld [tilespmem:s24+$0x10C00]  }
0x1c6: {  	v2 =	vadd.f32 v5, v2  }
0x1c7: {  	v5 =	vld [tilespmem:s24+$0x10E00]  }
0x1c8: {  	v2 =	vadd.f32 v3, v2  }
0x1c9: {  	v3 =	vld [tilespmem:s24+$0x11000]  }
0x1ca: {  	v2 =	vadd.f32 v4, v2  }
0x1cb: {  	v4 =	vld [tilespmem:s24+$0x11200]  }
0x1cc: {  	v2 =	vadd.f32 v5, v2  }
0x1cd: {  	v5 =	vld [tilespmem:s24+$0x11400]  }
0x1ce: {  	v2 =	vadd.f32 v3, v2  }
0x1cf: {  	v3 =	vld [tilespmem:s24+$0x11600]  }
0x1d0: {  	v2 =	vadd.f32 v4, v2  }
0x1d1: {  	v4 =	vld [tilespmem:s24+$0x11800]  }
0x1d2: {  	v2 =	vadd.f32 v5, v2  }
0x1d3: {  	v5 =	vld [tilespmem:s24+$0x11A00]  }
0x1d4: {  	v2 =	vadd.f32 v3, v2  }
0x1d5: {  	v3 =	vld [tilespmem:s24+$0x11C00]  }
0x1d6: {  	v2 =	vadd.f32 v4, v2  }
0x1d7: {  	v4 =	vld [tilespmem:s24+$0x11E00]  }
0x1d8: {  	v2 =	vadd.f32 v5, v2  }
0x1d9: {  	v5 =	vld [tilespmem:s24+$0x12000]  }
0x1da: {  	v2 =	vadd.f32 v3, v2  }
0x1db: {  	v3 =	vld [tilespmem:s24+$0x12200]  }
0x1dc: {  	v2 =	vadd.f32 v4, v2  }
0x1dd: {  	v4 =	vld [tilespmem:s24+$0x12400]  }
0x1de: {  	v2 =	vadd.f32 v5, v2  }
0x1df: {  	v5 =	vld [tilespmem:s24+$0x12600]  }
0x1e0: {  	v2 =	vadd.f32 v3, v2  }
0x1e1: {  	v3 =	vld [tilespmem:s24+$0x12800]  }
0x1e2: {  	v2 =	vadd.f32 v4, v2  }
0x1e3: {  	v4 =	vld [tilespmem:s24+$0x12A00]  }
0x1e4: {  	v2 =	vadd.f32 v5, v2  }
0x1e5: {  	v5 =	vld [tilespmem:s24+$0x12C00]  }
0x1e6: {  	v2 =	vadd.f32 v3, v2  }
0x1e7: {  	v3 =	vld [tilespmem:s24+$0x12E00]  }
0x1e8: {  	v2 =	vadd.f32 v4, v2  }
0x1e9: {  	v4 =	vld [tilespmem:s24+$0x13000]  }
0x1ea: {  	v2 =	vadd.f32 v5, v2  }
0x1eb: {  	v5 =	vld [tilespmem:s24+$0x13200]  }
0x1ec: {  	v2 =	vadd.f32 v3, v2  }
0x1ed: {  	v3 =	vld [tilespmem:s24+$0x13400]  }
0x1ee: {  	v2 =	vadd.f32 v4, v2  }
0x1ef: {  	v4 =	vld [tilespmem:s24+$0x13600]  }
0x1f0: {  	v2 =	vadd.f32 v5, v2  }
0x1f1: {  	v5 =	vld [tilespmem:s24+$0x13800]  }
0x1f2: {  	v2 =	vadd.f32 v3, v2  }
0x1f3: {  	v3 =	vld [tilespmem:s24+$0x13A00]  }
0x1f4: {  	v2 =	vadd.f32 v4, v2  }
0x1f5: {  	v4 =	vld [tilespmem:s24+$0x13C00]  }
0x1f6: {  	v2 =	vadd.f32 v5, v2  }
0x1f7: {  	v5 =	vld [tilespmem:s24+$0x13E00]  }
0x1f8: {  	s23 =	sadd.s32 $0x10, s23;
	v2 =	vadd.f32 v3, v2  }
0x1f9: {  	v3 =	vld [tilespmem:s23+$0x0]  }
0x1fa: {  	v2 =	vadd.f32 v4, v2;
	_ =	sdelay $0x1  }
.Ltmp4:
0x1fb: {  	v2 =	vadd.f32 v5, v2;
	(pc) =	sbr.rel @p0 .LBB2_10-.Ltmp4, $3  }
0x1fc: {  	_ = 	snop  }
0x1fd: {  	v2 =	vadd.f32 v3, v2;
	_ =	sdelay $0x1  }
0x1fe: {  	s24 =	sand.u32 $0x1F0, s25;
	s25 =	sadd.s32 $0x10, s25;
	[tilespmem:s23+$0x0] =	vst v2  }
0x1ff: {  	v2 =	vld [tilespmem:s24+$0xF000];
	_ =	sdelay $0x1  }
0x200: {  	v3 =	vld [tilespmem:s24+$0xF200];
	_ =	sdelay $0x1  }
0x201: {  	v4 =	vld [tilespmem:s24+$0xF400]  }
0x202: {  	v2 =	vadd.f32 $0.0e+00, v2  }
0x203: {  	v5 =	vld [tilespmem:s24+$0xF600]  }
0x204: {  	v2 =	vadd.f32 v3, v2  }
0x205: {  	v3 =	vld [tilespmem:s24+$0xF800]  }
0x206: {  	v2 =	vadd.f32 v4, v2  }
0x207: {  	v40 =	vld [tilespmem:s24+$0xFA00]  }
0x208: {  	v2 =	vadd.f32 v5, v2  }
0x209: {  	v41 =	vld [tilespmem:s24+$0xFC00]  }
0x20a: {  	v2 =	vadd.f32 v3, v2  }
0x20b: {  	v3 =	vld [tilespmem:s24+$0xFE00]  }
0x20c: {  	v2 =	vadd.f32 v40, v2  }
0x20d: {  	v42 =	vld [tilespmem:s24+$0x10000]  }
0x20e: {  	v2 =	vadd.f32 v41, v2  }
0x20f: {  	v43 =	vld [tilespmem:s24+$0x10200]  }
0x210: {  	v2 =	vadd.f32 v3, v2  }
0x211: {  	v3 =	vld [tilespmem:s24+$0x10400]  }
0x212: {  	v2 =	vadd.f32 v42, v2  }
0x213: {  	v44 =	vld [tilespmem:s24+$0x10600]  }
0x214: {  	v2 =	vadd.f32 v43, v2  }
0x215: {  	v45 =	vld [tilespmem:s24+$0x10800]  }
0x216: {  	v2 =	vadd.f32 v3, v2  }
0x217: {  	v3 =	vld [tilespmem:s24+$0x10A00]  }
0x218: {  	v2 =	vadd.f32 v44, v2  }
0x219: {  	v46 =	vld [tilespmem:s24+$0x10C00]  }
0x21a: {  	v2 =	vadd.f32 v45, v2  }
0x21b: {  	v47 =	vld [tilespmem:s24+$0x10E00]  }
0x21c: {  	v2 =	vadd.f32 v3, v2  }
0x21d: {  	v3 =	vld [tilespmem:s24+$0x11000]  }
0x21e: {  	v2 =	vadd.f32 v46, v2  }
0x21f: {  	v48 =	vld [tilespmem:s24+$0x11200]  }
0x220: {  	v2 =	vadd.f32 v47, v2  }
0x221: {  	v49 =	vld [tilespmem:s24+$0x11400]  }
0x222: {  	v2 =	vadd.f32 v3, v2  }
0x223: {  	v3 =	vld [tilespmem:s24+$0x11600]  }
0x224: {  	v2 =	vadd.f32 v48, v2  }
0x225: {  	v50 =	vld [tilespmem:s24+$0x11800]  }
0x226: {  	v2 =	vadd.f32 v49, v2  }
0x227: {  	v51 =	vld [tilespmem:s24+$0x11A00]  }
0x228: {  	v2 =	vadd.f32 v3, v2  }
0x229: {  	v3 =	vld [tilespmem:s24+$0x11C00]  }
0x22a: {  	v2 =	vadd.f32 v50, v2  }
0x22b: {  	v52 =	vld [tilespmem:s24+$0x11E00]  }
0x22c: {  	v2 =	vadd.f32 v51, v2  }
0x22d: {  	v53 =	vld [tilespmem:s24+$0x12000]  }
0x22e: {  	v2 =	vadd.f32 v3, v2  }
0x22f: {  	v3 =	vld [tilespmem:s24+$0x12200]  }
0x230: {  	v2 =	vadd.f32 v52, v2  }
0x231: {  	v54 =	vld [tilespmem:s24+$0x12400]  }
0x232: {  	v2 =	vadd.f32 v53, v2  }
0x233: {  	v55 =	vld [tilespmem:s24+$0x12600]  }
0x234: {  	v2 =	vadd.f32 v3, v2  }
0x235: {  	v3 =	vld [tilespmem:s24+$0x12800]  }
0x236: {  	v2 =	vadd.f32 v54, v2  }
0x237: {  	v56 =	vld [tilespmem:s24+$0x12A00]  }
0x238: {  	v2 =	vadd.f32 v55, v2  }
0x239: {  	v57 =	vld [tilespmem:s24+$0x12C00]  }
0x23a: {  	v2 =	vadd.f32 v3, v2  }
0x23b: {  	v3 =	vld [tilespmem:s24+$0x12E00]  }
0x23c: {  	v2 =	vadd.f32 v56, v2  }
0x23d: {  	v58 =	vld [tilespmem:s24+$0x13000]  }
0x23e: {  	v2 =	vadd.f32 v57, v2  }
0x23f: {  	v59 =	vld [tilespmem:s24+$0x13200]  }
0x240: {  	v2 =	vadd.f32 v3, v2  }
0x241: {  	v3 =	vld [tilespmem:s24+$0x13400]  }
0x242: {  	v2 =	vadd.f32 v58, v2  }
0x243: {  	v60 =	vld [tilespmem:s24+$0x13600]  }
0x244: {  	v2 =	vadd.f32 v59, v2  }
0x245: {  	v61 =	vld [tilespmem:s24+$0x13800]  }
0x246: {  	v2 =	vadd.f32 v3, v2  }
0x247: {  	v3 =	vld [tilespmem:s24+$0x13A00]  }
0x248: {  	v2 =	vadd.f32 v60, v2  }
0x249: {  	v62 =	vld [tilespmem:s24+$0x13C00]  }
0x24a: {  	v2 =	vadd.f32 v61, v2  }
0x24b: {  	v63 =	vld [tilespmem:s24+$0x13E00]  }
0x24c: {  	s23 =	sadd.s32 $0x10, s23;
	v2 =	vadd.f32 v3, v2  }
0x24d: {  	v3 =	vld [tilespmem:s23+$0x0]  }
0x24e: {  	v2 =	vadd.f32 v62, v2;
	_ =	sdelay $0x1  }
0x24f: {  	v2 =	vadd.f32 v63, v2;
	_ =	sdelay $0x1  }
0x250: {  	v2 =	vadd.f32 v3, v2;
	_ =	sdelay $0x1  }
0x251: {  	s25 =	sadd.s32 $0x0, s10;
	s24 =	simm.s32 $0x5000;
	[tilespmem:s23+$0x0] =	vst v2;
	s23 =	simm.s32 $0x800  }
.LBB2_12:
0x252: {  	[tilespmem:s24], [sflag:$0x4] =	stream.linear.gather [hbm4b:s25+s2], $0x200, $0x38;
	[tilespmem:$0x14280] =	vst v63  }
0x253: {  	s25 =	smov.u32 s23;
	p0 =	sne.s32 s23, $0x13800  }
.Ltmp5:
0x254: {  	s23 =	sadd.s32 $0x800, s23;
	(pc) =	sbr.rel @p0 .LBB2_12-.Ltmp5, $3  }
0x255: {  	_ =	sdelay $0x1  }
0x256: {  	s24 =	sshra.s32 s25, $0x2  }
0x257: {  	s25 =	sadd.s32 s25, s10;
	s24 =	sadd.s32 $0x5000, s24  }
0x258: {  	[tilespmem:s24], [sflag:$0x4] =	stream.linear.gather [hbm4b:s25+s2], $0x200, $0x38;
	[tilespmem:$0x14280] =	vst v63  }
0x259: {  	_ =	swait.ge [sflag:s17], $0x5000  }
0x25a: {  	[sflag:s17] =	ssyncset.done $0x0  }
0x25b: {  	[sflag:s17] =	ssyncadd.s32 $0xFFFFB000  }
0x25c: {  	[tilespmem:s18], [sflag:$0x2] =	stream.indirect.gather [hbm4b:s3+s15], $0x1, s15, s15, $0xb8;
	[tilespmem:$0x14280] =	vst v63  }
0x25d: {  	_ =	swait.ge [sflag:s19], $0x5000  }
0x25e: {  	s23 =	simm.s32 $0x0;
	[sflag:s19] =	ssyncset.done $0x0  }
0x25f: {  	s23 =	sand.u32 $0x1F0, s23;
	[sflag:s19] =	ssyncadd.s32 $0xFFFFB000  }
0x260: {  	v2 =	vld [tilespmem:s23+$0xA000];
	_ =	sdelay $0x1  }
0x261: {  	v3 =	vld [tilespmem:s23+$0xA200];
	_ =	sdelay $0x1  }
0x262: {  	v4 =	vld [tilespmem:s23+$0xA400]  }
0x263: {  	v2 =	vadd.f32 $0.0e+00, v2  }
0x264: {  	v5 =	vld [tilespmem:s23+$0xA600]  }
0x265: {  	v2 =	vadd.f32 v3, v2  }
0x266: {  	v3 =	vld [tilespmem:s23+$0xA800]  }
0x267: {  	v2 =	vadd.f32 v4, v2  }
0x268: {  	v40 =	vld [tilespmem:s23+$0xAA00]  }
0x269: {  	v2 =	vadd.f32 v5, v2  }
0x26a: {  	v41 =	vld [tilespmem:s23+$0xAC00]  }
0x26b: {  	v2 =	vadd.f32 v3, v2  }
0x26c: {  	v3 =	vld [tilespmem:s23+$0xAE00]  }
0x26d: {  	v2 =	vadd.f32 v40, v2  }
0x26e: {  	v42 =	vld [tilespmem:s23+$0xB000]  }
0x26f: {  	v2 =	vadd.f32 v41, v2  }
0x270: {  	v43 =	vld [tilespmem:s23+$0xB200]  }
0x271: {  	v2 =	vadd.f32 v3, v2  }
0x272: {  	v3 =	vld [tilespmem:s23+$0xB400]  }
0x273: {  	v2 =	vadd.f32 v42, v2  }
0x274: {  	v44 =	vld [tilespmem:s23+$0xB600]  }
0x275: {  	v2 =	vadd.f32 v43, v2  }
0x276: {  	v45 =	vld [tilespmem:s23+$0xB800]  }
0x277: {  	v2 =	vadd.f32 v3, v2  }
0x278: {  	v3 =	vld [tilespmem:s23+$0xBA00]  }
0x279: {  	v2 =	vadd.f32 v44, v2  }
0x27a: {  	v46 =	vld [tilespmem:s23+$0xBC00]  }
0x27b: {  	v2 =	vadd.f32 v45, v2  }
0x27c: {  	v47 =	vld [tilespmem:s23+$0xBE00]  }
0x27d: {  	v2 =	vadd.f32 v3, v2  }
0x27e: {  	v3 =	vld [tilespmem:s23+$0xC000]  }
0x27f: {  	v2 =	vadd.f32 v46, v2  }
0x280: {  	v48 =	vld [tilespmem:s23+$0xC200]  }
0x281: {  	v2 =	vadd.f32 v47, v2  }
0x282: {  	v49 =	vld [tilespmem:s23+$0xC400]  }
0x283: {  	v2 =	vadd.f32 v3, v2  }
0x284: {  	v3 =	vld [tilespmem:s23+$0xC600]  }
0x285: {  	v2 =	vadd.f32 v48, v2  }
0x286: {  	v50 =	vld [tilespmem:s23+$0xC800]  }
0x287: {  	v2 =	vadd.f32 v49, v2  }
0x288: {  	v51 =	vld [tilespmem:s23+$0xCA00]  }
0x289: {  	v2 =	vadd.f32 v3, v2  }
0x28a: {  	v3 =	vld [tilespmem:s23+$0xCC00]  }
0x28b: {  	v2 =	vadd.f32 v50, v2  }
0x28c: {  	v52 =	vld [tilespmem:s23+$0xCE00]  }
0x28d: {  	v2 =	vadd.f32 v51, v2  }
0x28e: {  	v53 =	vld [tilespmem:s23+$0xD000]  }
0x28f: {  	v2 =	vadd.f32 v3, v2  }
0x290: {  	v3 =	vld [tilespmem:s23+$0xD200]  }
0x291: {  	v2 =	vadd.f32 v52, v2  }
0x292: {  	v54 =	vld [tilespmem:s23+$0xD400]  }
0x293: {  	v2 =	vadd.f32 v53, v2  }
0x294: {  	v55 =	vld [tilespmem:s23+$0xD600]  }
0x295: {  	v2 =	vadd.f32 v3, v2  }
0x296: {  	v3 =	vld [tilespmem:s23+$0xD800]  }
0x297: {  	v2 =	vadd.f32 v54, v2  }
0x298: {  	v56 =	vld [tilespmem:s23+$0xDA00]  }
0x299: {  	v2 =	vadd.f32 v55, v2  }
0x29a: {  	v57 =	vld [tilespmem:s23+$0xDC00]  }
0x29b: {  	v2 =	vadd.f32 v3, v2  }
0x29c: {  	v3 =	vld [tilespmem:s23+$0xDE00]  }
0x29d: {  	v2 =	vadd.f32 v56, v2  }
0x29e: {  	v58 =	vld [tilespmem:s23+$0xE000]  }
0x29f: {  	v2 =	vadd.f32 v57, v2  }
0x2a0: {  	v59 =	vld [tilespmem:s23+$0xE200]  }
0x2a1: {  	v2 =	vadd.f32 v3, v2  }
0x2a2: {  	v3 =	vld [tilespmem:s23+$0xE400]  }
0x2a3: {  	v2 =	vadd.f32 v58, v2  }
0x2a4: {  	v60 =	vld [tilespmem:s23+$0xE600]  }
0x2a5: {  	v2 =	vadd.f32 v59, v2  }
0x2a6: {  	v61 =	vld [tilespmem:s23+$0xE800]  }
0x2a7: {  	v2 =	vadd.f32 v3, v2  }
0x2a8: {  	v3 =	vld [tilespmem:s23+$0xEA00]  }
0x2a9: {  	v2 =	vadd.f32 v60, v2  }
0x2aa: {  	v62 =	vld [tilespmem:s23+$0xEC00]  }
0x2ab: {  	v2 =	vadd.f32 v61, v2  }
0x2ac: {  	v63 =	vld [tilespmem:s23+$0xEE00]  }
0x2ad: {  	s23 =	simm.s32 $0x14080;
	v2 =	vadd.f32 v3, v2  }
0x2ae: {  	v3 =	vld [tilespmem:s23+$0x0]  }
0x2af: {  	v2 =	vadd.f32 v62, v2;
	_ =	sdelay $0x1  }
0x2b0: {  	v2 =	vadd.f32 v63, v2;
	_ =	sdelay $0x1  }
0x2b1: {  	v2 =	vadd.f32 v3, v2  }
0x2b2: {  	s31 =	simm.s32 $0x10  }
0x2b3: {  	s25 =	simm.s32 $0x20;
	s24 =	sand.u32 $0x1F0, s31;
	[tilespmem:s23+$0x0] =	vst v2  }
.LBB2_14:
0x2b4: {  	p0 =	sne.s32 s25, $0x1F0;
	v2 =	vld [tilespmem:s24+$0xA000];
	_ =	sdelay $0x1  }
0x2b5: {  	v3 =	vld [tilespmem:s24+$0xA200];
	_ =	sdelay $0x1  }
0x2b6: {  	v4 =	vld [tilespmem:s24+$0xA400]  }
0x2b7: {  	v2 =	vadd.f32 $0.0e+00, v2  }
0x2b8: {  	v5 =	vld [tilespmem:s24+$0xA600]  }
0x2b9: {  	v2 =	vadd.f32 v3, v2  }
0x2ba: {  	v3 =	vld [tilespmem:s24+$0xA800]  }
0x2bb: {  	v2 =	vadd.f32 v4, v2  }
0x2bc: {  	v4 =	vld [tilespmem:s24+$0xAA00]  }
0x2bd: {  	v2 =	vadd.f32 v5, v2  }
0x2be: {  	v5 =	vld [tilespmem:s24+$0xAC00]  }
0x2bf: {  	v2 =	vadd.f32 v3, v2  }
0x2c0: {  	v3 =	vld [tilespmem:s24+$0xAE00]  }
0x2c1: {  	v2 =	vadd.f32 v4, v2  }
0x2c2: {  	v4 =	vld [tilespmem:s24+$0xB000]  }
0x2c3: {  	v2 =	vadd.f32 v5, v2  }
0x2c4: {  	v5 =	vld [tilespmem:s24+$0xB200]  }
0x2c5: {  	v2 =	vadd.f32 v3, v2  }
0x2c6: {  	v3 =	vld [tilespmem:s24+$0xB400]  }
0x2c7: {  	v2 =	vadd.f32 v4, v2  }
0x2c8: {  	v4 =	vld [tilespmem:s24+$0xB600]  }
0x2c9: {  	v2 =	vadd.f32 v5, v2  }
0x2ca: {  	v5 =	vld [tilespmem:s24+$0xB800]  }
0x2cb: {  	v2 =	vadd.f32 v3, v2  }
0x2cc: {  	v3 =	vld [tilespmem:s24+$0xBA00]  }
0x2cd: {  	v2 =	vadd.f32 v4, v2  }
0x2ce: {  	v4 =	vld [tilespmem:s24+$0xBC00]  }
0x2cf: {  	v2 =	vadd.f32 v5, v2  }
0x2d0: {  	v5 =	vld [tilespmem:s24+$0xBE00]  }
0x2d1: {  	v2 =	vadd.f32 v3, v2  }
0x2d2: {  	v3 =	vld [tilespmem:s24+$0xC000]  }
0x2d3: {  	v2 =	vadd.f32 v4, v2  }
0x2d4: {  	v4 =	vld [tilespmem:s24+$0xC200]  }
0x2d5: {  	v2 =	vadd.f32 v5, v2  }
0x2d6: {  	v5 =	vld [tilespmem:s24+$0xC400]  }
0x2d7: {  	v2 =	vadd.f32 v3, v2  }
0x2d8: {  	v3 =	vld [tilespmem:s24+$0xC600]  }
0x2d9: {  	v2 =	vadd.f32 v4, v2  }
0x2da: {  	v4 =	vld [tilespmem:s24+$0xC800]  }
0x2db: {  	v2 =	vadd.f32 v5, v2  }
0x2dc: {  	v5 =	vld [tilespmem:s24+$0xCA00]  }
0x2dd: {  	v2 =	vadd.f32 v3, v2  }
0x2de: {  	v3 =	vld [tilespmem:s24+$0xCC00]  }
0x2df: {  	v2 =	vadd.f32 v4, v2  }
0x2e0: {  	v4 =	vld [tilespmem:s24+$0xCE00]  }
0x2e1: {  	v2 =	vadd.f32 v5, v2  }
0x2e2: {  	v5 =	vld [tilespmem:s24+$0xD000]  }
0x2e3: {  	v2 =	vadd.f32 v3, v2  }
0x2e4: {  	v3 =	vld [tilespmem:s24+$0xD200]  }
0x2e5: {  	v2 =	vadd.f32 v4, v2  }
0x2e6: {  	v4 =	vld [tilespmem:s24+$0xD400]  }
0x2e7: {  	v2 =	vadd.f32 v5, v2  }
0x2e8: {  	v5 =	vld [tilespmem:s24+$0xD600]  }
0x2e9: {  	v2 =	vadd.f32 v3, v2  }
0x2ea: {  	v3 =	vld [tilespmem:s24+$0xD800]  }
0x2eb: {  	v2 =	vadd.f32 v4, v2  }
0x2ec: {  	v4 =	vld [tilespmem:s24+$0xDA00]  }
0x2ed: {  	v2 =	vadd.f32 v5, v2  }
0x2ee: {  	v5 =	vld [tilespmem:s24+$0xDC00]  }
0x2ef: {  	v2 =	vadd.f32 v3, v2  }
0x2f0: {  	v3 =	vld [tilespmem:s24+$0xDE00]  }
0x2f1: {  	v2 =	vadd.f32 v4, v2  }
0x2f2: {  	v4 =	vld [tilespmem:s24+$0xE000]  }
0x2f3: {  	v2 =	vadd.f32 v5, v2  }
0x2f4: {  	v5 =	vld [tilespmem:s24+$0xE200]  }
0x2f5: {  	v2 =	vadd.f32 v3, v2  }
0x2f6: {  	v3 =	vld [tilespmem:s24+$0xE400]  }
0x2f7: {  	v2 =	vadd.f32 v4, v2  }
0x2f8: {  	v4 =	vld [tilespmem:s24+$0xE600]  }
0x2f9: {  	v2 =	vadd.f32 v5, v2  }
0x2fa: {  	v5 =	vld [tilespmem:s24+$0xE800]  }
0x2fb: {  	v2 =	vadd.f32 v3, v2  }
0x2fc: {  	v3 =	vld [tilespmem:s24+$0xEA00]  }
0x2fd: {  	v2 =	vadd.f32 v4, v2  }
0x2fe: {  	v4 =	vld [tilespmem:s24+$0xEC00]  }
0x2ff: {  	v2 =	vadd.f32 v5, v2  }
0x300: {  	v5 =	vld [tilespmem:s24+$0xEE00]  }
0x301: {  	s23 =	sadd.s32 $0x10, s23;
	v2 =	vadd.f32 v3, v2  }
0x302: {  	v3 =	vld [tilespmem:s23+$0x0]  }
0x303: {  	v2 =	vadd.f32 v4, v2;
	_ =	sdelay $0x1  }
.Ltmp6:
0x304: {  	v2 =	vadd.f32 v5, v2;
	(pc) =	sbr.rel @p0 .LBB2_14-.Ltmp6, $3  }
0x305: {  	_ = 	snop  }
0x306: {  	v2 =	vadd.f32 v3, v2;
	_ =	sdelay $0x1  }
0x307: {  	s24 =	sand.u32 $0x1F0, s25;
	s25 =	sadd.s32 $0x10, s25;
	[tilespmem:s23+$0x0] =	vst v2  }
0x308: {  	v2 =	vld [tilespmem:s24+$0xA000];
	_ =	sdelay $0x1  }
0x309: {  	v3 =	vld [tilespmem:s24+$0xA200];
	_ =	sdelay $0x1  }
0x30a: {  	v4 =	vld [tilespmem:s24+$0xA400]  }
0x30b: {  	v2 =	vadd.f32 $0.0e+00, v2  }
0x30c: {  	v5 =	vld [tilespmem:s24+$0xA600]  }
0x30d: {  	v2 =	vadd.f32 v3, v2  }
0x30e: {  	v3 =	vld [tilespmem:s24+$0xA800]  }
0x30f: {  	v2 =	vadd.f32 v4, v2  }
0x310: {  	v40 =	vld [tilespmem:s24+$0xAA00]  }
0x311: {  	v2 =	vadd.f32 v5, v2  }
0x312: {  	v41 =	vld [tilespmem:s24+$0xAC00]  }
0x313: {  	v2 =	vadd.f32 v3, v2  }
0x314: {  	v3 =	vld [tilespmem:s24+$0xAE00]  }
0x315: {  	v2 =	vadd.f32 v40, v2  }
0x316: {  	v42 =	vld [tilespmem:s24+$0xB000]  }
0x317: {  	v2 =	vadd.f32 v41, v2  }
0x318: {  	v43 =	vld [tilespmem:s24+$0xB200]  }
0x319: {  	v2 =	vadd.f32 v3, v2  }
0x31a: {  	v3 =	vld [tilespmem:s24+$0xB400]  }
0x31b: {  	v2 =	vadd.f32 v42, v2  }
0x31c: {  	v44 =	vld [tilespmem:s24+$0xB600]  }
0x31d: {  	v2 =	vadd.f32 v43, v2  }
0x31e: {  	v45 =	vld [tilespmem:s24+$0xB800]  }
0x31f: {  	v2 =	vadd.f32 v3, v2  }
0x320: {  	v3 =	vld [tilespmem:s24+$0xBA00]  }
0x321: {  	v2 =	vadd.f32 v44, v2  }
0x322: {  	v46 =	vld [tilespmem:s24+$0xBC00]  }
0x323: {  	v2 =	vadd.f32 v45, v2  }
0x324: {  	v47 =	vld [tilespmem:s24+$0xBE00]  }
0x325: {  	v2 =	vadd.f32 v3, v2  }
0x326: {  	v3 =	vld [tilespmem:s24+$0xC000]  }
0x327: {  	v2 =	vadd.f32 v46, v2  }
0x328: {  	v48 =	vld [tilespmem:s24+$0xC200]  }
0x329: {  	v2 =	vadd.f32 v47, v2  }
0x32a: {  	v49 =	vld [tilespmem:s24+$0xC400]  }
0x32b: {  	v2 =	vadd.f32 v3, v2  }
0x32c: {  	v3 =	vld [tilespmem:s24+$0xC600]  }
0x32d: {  	v2 =	vadd.f32 v48, v2  }
0x32e: {  	v50 =	vld [tilespmem:s24+$0xC800]  }
0x32f: {  	v2 =	vadd.f32 v49, v2  }
0x330: {  	v51 =	vld [tilespmem:s24+$0xCA00]  }
0x331: {  	v2 =	vadd.f32 v3, v2  }
0x332: {  	v3 =	vld [tilespmem:s24+$0xCC00]  }
0x333: {  	v2 =	vadd.f32 v50, v2  }
0x334: {  	v52 =	vld [tilespmem:s24+$0xCE00]  }
0x335: {  	v2 =	vadd.f32 v51, v2  }
0x336: {  	v53 =	vld [tilespmem:s24+$0xD000]  }
0x337: {  	v2 =	vadd.f32 v3, v2  }
0x338: {  	v3 =	vld [tilespmem:s24+$0xD200]  }
0x339: {  	v2 =	vadd.f32 v52, v2  }
0x33a: {  	v54 =	vld [tilespmem:s24+$0xD400]  }
0x33b: {  	v2 =	vadd.f32 v53, v2  }
0x33c: {  	v55 =	vld [tilespmem:s24+$0xD600]  }
0x33d: {  	v2 =	vadd.f32 v3, v2  }
0x33e: {  	v3 =	vld [tilespmem:s24+$0xD800]  }
0x33f: {  	v2 =	vadd.f32 v54, v2  }
0x340: {  	v56 =	vld [tilespmem:s24+$0xDA00]  }
0x341: {  	v2 =	vadd.f32 v55, v2  }
0x342: {  	v57 =	vld [tilespmem:s24+$0xDC00]  }
0x343: {  	v2 =	vadd.f32 v3, v2  }
0x344: {  	v3 =	vld [tilespmem:s24+$0xDE00]  }
0x345: {  	v2 =	vadd.f32 v56, v2  }
0x346: {  	v58 =	vld [tilespmem:s24+$0xE000]  }
0x347: {  	v2 =	vadd.f32 v57, v2  }
0x348: {  	v59 =	vld [tilespmem:s24+$0xE200]  }
0x349: {  	v2 =	vadd.f32 v3, v2  }
0x34a: {  	v3 =	vld [tilespmem:s24+$0xE400]  }
0x34b: {  	v2 =	vadd.f32 v58, v2  }
0x34c: {  	v60 =	vld [tilespmem:s24+$0xE600]  }
0x34d: {  	v2 =	vadd.f32 v59, v2  }
0x34e: {  	v61 =	vld [tilespmem:s24+$0xE800]  }
0x34f: {  	v2 =	vadd.f32 v3, v2  }
0x350: {  	v3 =	vld [tilespmem:s24+$0xEA00]  }
0x351: {  	v2 =	vadd.f32 v60, v2  }
0x352: {  	v62 =	vld [tilespmem:s24+$0xEC00]  }
0x353: {  	v2 =	vadd.f32 v61, v2  }
0x354: {  	v63 =	vld [tilespmem:s24+$0xEE00]  }
0x355: {  	s23 =	sadd.s32 $0x10, s23;
	v2 =	vadd.f32 v3, v2  }
0x356: {  	v3 =	vld [tilespmem:s23+$0x0]  }
0x357: {  	v2 =	vadd.f32 v62, v2;
	_ =	sdelay $0x1  }
0x358: {  	v2 =	vadd.f32 v63, v2;
	_ =	sdelay $0x1  }
0x359: {  	v2 =	vadd.f32 v3, v2;
	_ =	sdelay $0x1  }
0x35a: {  	s25 =	sadd.s32 $0x0, s11;
	s24 =	simm.s32 $0x0;
	[tilespmem:s23+$0x0] =	vst v2;
	s23 =	simm.s32 $0x800  }
.LBB2_16:
0x35b: {  	[tilespmem:s24], [sflag:$0x3] =	stream.linear.gather [hbm4b:s25+s2], $0x200, $0x38;
	[tilespmem:$0x14280] =	vst v63  }
0x35c: {  	s25 =	smov.u32 s23;
	p0 =	sne.s32 s23, $0x13800  }
.Ltmp7:
0x35d: {  	s23 =	sadd.s32 $0x800, s23;
	(pc) =	sbr.rel @p0 .LBB2_16-.Ltmp7, $2  }
0x35e: {  	_ =	sdelay $0x2  }
0x35f: {  	s24 =	sshra.s32 s25, $0x2;
	s25 =	sadd.s32 s25, s11  }
0x360: {  	[tilespmem:s24], [sflag:$0x3] =	stream.linear.gather [hbm4b:s25+s2], $0x200, $0x38;
	[tilespmem:$0x14280] =	vst v63  }
0x361: {  	_ =	swait.ge [sflag:s14], $0x5000  }
0x362: {  	[sflag:s14] =	ssyncset.done $0x0  }
0x363: {  	s23 =	simm.s32 $0x0;
	[sflag:s14] =	ssyncadd.s32 $0xFFFFB000  }
0x364: {  	[tilespmem:s16], [sflag:$0x1] =	stream.indirect.gather [hbm4b:s3+s15], $0x1, s23, s15, $0xb8;
	[tilespmem:$0x14280] =	vst v63  }
0x365: {  	_ =	swait.ge [sflag:s20], $0x5000  }
0x366: {  	[sflag:s20] =	ssyncset.done $0x0  }
0x367: {  	s23 =	sand.u32 $0x1F0, s23;
	[sflag:s20] =	ssyncadd.s32 $0xFFFFB000  }
0x368: {  	v2 =	vld [tilespmem:s23+$0xF000];
	_ =	sdelay $0x1  }
0x369: {  	v3 =	vld [tilespmem:s23+$0xF200];
	_ =	sdelay $0x1  }
0x36a: {  	v4 =	vld [tilespmem:s23+$0xF400]  }
0x36b: {  	v2 =	vadd.f32 $0.0e+00, v2  }
0x36c: {  	v5 =	vld [tilespmem:s23+$0xF600]  }
0x36d: {  	v2 =	vadd.f32 v3, v2  }
0x36e: {  	v3 =	vld [tilespmem:s23+$0xF800]  }
0x36f: {  	v2 =	vadd.f32 v4, v2  }
0x370: {  	v40 =	vld [tilespmem:s23+$0xFA00]  }
0x371: {  	v2 =	vadd.f32 v5, v2  }
0x372: {  	v41 =	vld [tilespmem:s23+$0xFC00]  }
0x373: {  	v2 =	vadd.f32 v3, v2  }
0x374: {  	v3 =	vld [tilespmem:s23+$0xFE00]  }
0x375: {  	v2 =	vadd.f32 v40, v2  }
0x376: {  	v42 =	vld [tilespmem:s23+$0x10000]  }
0x377: {  	v2 =	vadd.f32 v41, v2  }
0x378: {  	v43 =	vld [tilespmem:s23+$0x10200]  }
0x379: {  	v2 =	vadd.f32 v3, v2  }
0x37a: {  	v3 =	vld [tilespmem:s23+$0x10400]  }
0x37b: {  	v2 =	vadd.f32 v42, v2  }
0x37c: {  	v44 =	vld [tilespmem:s23+$0x10600]  }
0x37d: {  	v2 =	vadd.f32 v43, v2  }
0x37e: {  	v45 =	vld [tilespmem:s23+$0x10800]  }
0x37f: {  	v2 =	vadd.f32 v3, v2  }
0x380: {  	v3 =	vld [tilespmem:s23+$0x10A00]  }
0x381: {  	v2 =	vadd.f32 v44, v2  }
0x382: {  	v46 =	vld [tilespmem:s23+$0x10C00]  }
0x383: {  	v2 =	vadd.f32 v45, v2  }
0x384: {  	v47 =	vld [tilespmem:s23+$0x10E00]  }
0x385: {  	v2 =	vadd.f32 v3, v2  }
0x386: {  	v3 =	vld [tilespmem:s23+$0x11000]  }
0x387: {  	v2 =	vadd.f32 v46, v2  }
0x388: {  	v48 =	vld [tilespmem:s23+$0x11200]  }
0x389: {  	v2 =	vadd.f32 v47, v2  }
0x38a: {  	v49 =	vld [tilespmem:s23+$0x11400]  }
0x38b: {  	v2 =	vadd.f32 v3, v2  }
0x38c: {  	v3 =	vld [tilespmem:s23+$0x11600]  }
0x38d: {  	v2 =	vadd.f32 v48, v2  }
0x38e: {  	v50 =	vld [tilespmem:s23+$0x11800]  }
0x38f: {  	v2 =	vadd.f32 v49, v2  }
0x390: {  	v51 =	vld [tilespmem:s23+$0x11A00]  }
0x391: {  	v2 =	vadd.f32 v3, v2  }
0x392: {  	v3 =	vld [tilespmem:s23+$0x11C00]  }
0x393: {  	v2 =	vadd.f32 v50, v2  }
0x394: {  	v52 =	vld [tilespmem:s23+$0x11E00]  }
0x395: {  	v2 =	vadd.f32 v51, v2  }
0x396: {  	v53 =	vld [tilespmem:s23+$0x12000]  }
0x397: {  	v2 =	vadd.f32 v3, v2  }
0x398: {  	v3 =	vld [tilespmem:s23+$0x12200]  }
0x399: {  	v2 =	vadd.f32 v52, v2  }
0x39a: {  	v54 =	vld [tilespmem:s23+$0x12400]  }
0x39b: {  	v2 =	vadd.f32 v53, v2  }
0x39c: {  	v55 =	vld [tilespmem:s23+$0x12600]  }
0x39d: {  	v2 =	vadd.f32 v3, v2  }
0x39e: {  	v3 =	vld [tilespmem:s23+$0x12800]  }
0x39f: {  	v2 =	vadd.f32 v54, v2  }
0x3a0: {  	v56 =	vld [tilespmem:s23+$0x12A00]  }
0x3a1: {  	v2 =	vadd.f32 v55, v2  }
0x3a2: {  	v57 =	vld [tilespmem:s23+$0x12C00]  }
0x3a3: {  	v2 =	vadd.f32 v3, v2  }
0x3a4: {  	v3 =	vld [tilespmem:s23+$0x12E00]  }
0x3a5: {  	v2 =	vadd.f32 v56, v2  }
0x3a6: {  	v58 =	vld [tilespmem:s23+$0x13000]  }
0x3a7: {  	v2 =	vadd.f32 v57, v2  }
0x3a8: {  	v59 =	vld [tilespmem:s23+$0x13200]  }
0x3a9: {  	v2 =	vadd.f32 v3, v2  }
0x3aa: {  	v3 =	vld [tilespmem:s23+$0x13400]  }
0x3ab: {  	v2 =	vadd.f32 v58, v2  }
0x3ac: {  	v60 =	vld [tilespmem:s23+$0x13600]  }
0x3ad: {  	v2 =	vadd.f32 v59, v2  }
0x3ae: {  	v61 =	vld [tilespmem:s23+$0x13800]  }
0x3af: {  	v2 =	vadd.f32 v3, v2  }
0x3b0: {  	v3 =	vld [tilespmem:s23+$0x13A00]  }
0x3b1: {  	v2 =	vadd.f32 v60, v2  }
0x3b2: {  	v62 =	vld [tilespmem:s23+$0x13C00]  }
0x3b3: {  	v2 =	vadd.f32 v61, v2  }
0x3b4: {  	v63 =	vld [tilespmem:s23+$0x13E00]  }
0x3b5: {  	s23 =	simm.s32 $0x14080;
	v2 =	vadd.f32 v3, v2  }
0x3b6: {  	v3 =	vld [tilespmem:s23+$0x0]  }
0x3b7: {  	v2 =	vadd.f32 v62, v2;
	_ =	sdelay $0x1  }
0x3b8: {  	v2 =	vadd.f32 v63, v2;
	_ =	sdelay $0x1  }
0x3b9: {  	v2 =	vadd.f32 v3, v2  }
0x3ba: {  	s31 =	simm.s32 $0x10  }
0x3bb: {  	s25 =	simm.s32 $0x20;
	s24 =	sand.u32 $0x1F0, s31;
	[tilespmem:s23+$0x0] =	vst v2  }
.LBB2_18:
0x3bc: {  	p0 =	sne.s32 s25, $0x1F0;
	v2 =	vld [tilespmem:s24+$0xF000];
	_ =	sdelay $0x1  }
0x3bd: {  	v3 =	vld [tilespmem:s24+$0xF200];
	_ =	sdelay $0x1  }
0x3be: {  	v4 =	vld [tilespmem:s24+$0xF400]  }
0x3bf: {  	v2 =	vadd.f32 $0.0e+00, v2  }
0x3c0: {  	v5 =	vld [tilespmem:s24+$0xF600]  }
0x3c1: {  	v2 =	vadd.f32 v3, v2  }
0x3c2: {  	v3 =	vld [tilespmem:s24+$0xF800]  }
0x3c3: {  	v2 =	vadd.f32 v4, v2  }
0x3c4: {  	v4 =	vld [tilespmem:s24+$0xFA00]  }
0x3c5: {  	v2 =	vadd.f32 v5, v2  }
0x3c6: {  	v5 =	vld [tilespmem:s24+$0xFC00]  }
0x3c7: {  	v2 =	vadd.f32 v3, v2  }
0x3c8: {  	v3 =	vld [tilespmem:s24+$0xFE00]  }
0x3c9: {  	v2 =	vadd.f32 v4, v2  }
0x3ca: {  	v4 =	vld [tilespmem:s24+$0x10000]  }
0x3cb: {  	v2 =	vadd.f32 v5, v2  }
0x3cc: {  	v5 =	vld [tilespmem:s24+$0x10200]  }
0x3cd: {  	v2 =	vadd.f32 v3, v2  }
0x3ce: {  	v3 =	vld [tilespmem:s24+$0x10400]  }
0x3cf: {  	v2 =	vadd.f32 v4, v2  }
0x3d0: {  	v4 =	vld [tilespmem:s24+$0x10600]  }
0x3d1: {  	v2 =	vadd.f32 v5, v2  }
0x3d2: {  	v5 =	vld [tilespmem:s24+$0x10800]  }
0x3d3: {  	v2 =	vadd.f32 v3, v2  }
0x3d4: {  	v3 =	vld [tilespmem:s24+$0x10A00]  }
0x3d5: {  	v2 =	vadd.f32 v4, v2  }
0x3d6: {  	v4 =	vld [tilespmem:s24+$0x10C00]  }
0x3d7: {  	v2 =	vadd.f32 v5, v2  }
0x3d8: {  	v5 =	vld [tilespmem:s24+$0x10E00]  }
0x3d9: {  	v2 =	vadd.f32 v3, v2  }
0x3da: {  	v3 =	vld [tilespmem:s24+$0x11000]  }
0x3db: {  	v2 =	vadd.f32 v4, v2  }
0x3dc: {  	v4 =	vld [tilespmem:s24+$0x11200]  }
0x3dd: {  	v2 =	vadd.f32 v5, v2  }
0x3de: {  	v5 =	vld [tilespmem:s24+$0x11400]  }
0x3df: {  	v2 =	vadd.f32 v3, v2  }
0x3e0: {  	v3 =	vld [tilespmem:s24+$0x11600]  }
0x3e1: {  	v2 =	vadd.f32 v4, v2  }
0x3e2: {  	v4 =	vld [tilespmem:s24+$0x11800]  }
0x3e3: {  	v2 =	vadd.f32 v5, v2  }
0x3e4: {  	v5 =	vld [tilespmem:s24+$0x11A00]  }
0x3e5: {  	v2 =	vadd.f32 v3, v2  }
0x3e6: {  	v3 =	vld [tilespmem:s24+$0x11C00]  }
0x3e7: {  	v2 =	vadd.f32 v4, v2  }
0x3e8: {  	v4 =	vld [tilespmem:s24+$0x11E00]  }
0x3e9: {  	v2 =	vadd.f32 v5, v2  }
0x3ea: {  	v5 =	vld [tilespmem:s24+$0x12000]  }
0x3eb: {  	v2 =	vadd.f32 v3, v2  }
0x3ec: {  	v3 =	vld [tilespmem:s24+$0x12200]  }
0x3ed: {  	v2 =	vadd.f32 v4, v2  }
0x3ee: {  	v4 =	vld [tilespmem:s24+$0x12400]  }
0x3ef: {  	v2 =	vadd.f32 v5, v2  }
0x3f0: {  	v5 =	vld [tilespmem:s24+$0x12600]  }
0x3f1: {  	v2 =	vadd.f32 v3, v2  }
0x3f2: {  	v3 =	vld [tilespmem:s24+$0x12800]  }
0x3f3: {  	v2 =	vadd.f32 v4, v2  }
0x3f4: {  	v4 =	vld [tilespmem:s24+$0x12A00]  }
0x3f5: {  	v2 =	vadd.f32 v5, v2  }
0x3f6: {  	v5 =	vld [tilespmem:s24+$0x12C00]  }
0x3f7: {  	v2 =	vadd.f32 v3, v2  }
0x3f8: {  	v3 =	vld [tilespmem:s24+$0x12E00]  }
0x3f9: {  	v2 =	vadd.f32 v4, v2  }
0x3fa: {  	v4 =	vld [tilespmem:s24+$0x13000]  }
0x3fb: {  	v2 =	vadd.f32 v5, v2  }
0x3fc: {  	v5 =	vld [tilespmem:s24+$0x13200]  }
0x3fd: {  	v2 =	vadd.f32 v3, v2  }
0x3fe: {  	v3 =	vld [tilespmem:s24+$0x13400]  }
0x3ff: {  	v2 =	vadd.f32 v4, v2  }
0x400: {  	v4 =	vld [tilespmem:s24+$0x13600]  }
0x401: {  	v2 =	vadd.f32 v5, v2  }
0x402: {  	v5 =	vld [tilespmem:s24+$0x13800]  }
0x403: {  	v2 =	vadd.f32 v3, v2  }
0x404: {  	v3 =	vld [tilespmem:s24+$0x13A00]  }
0x405: {  	v2 =	vadd.f32 v4, v2  }
0x406: {  	v4 =	vld [tilespmem:s24+$0x13C00]  }
0x407: {  	v2 =	vadd.f32 v5, v2  }
0x408: {  	v5 =	vld [tilespmem:s24+$0x13E00]  }
0x409: {  	s23 =	sadd.s32 $0x10, s23;
	v2 =	vadd.f32 v3, v2  }
0x40a: {  	v3 =	vld [tilespmem:s23+$0x0]  }
0x40b: {  	v2 =	vadd.f32 v4, v2;
	_ =	sdelay $0x1  }
.Ltmp8:
0x40c: {  	v2 =	vadd.f32 v5, v2;
	(pc) =	sbr.rel @p0 .LBB2_18-.Ltmp8, $3  }
0x40d: {  	_ = 	snop  }
0x40e: {  	v2 =	vadd.f32 v3, v2;
	_ =	sdelay $0x1  }
0x40f: {  	s24 =	sand.u32 $0x1F0, s25;
	s25 =	sadd.s32 $0x10, s25;
	[tilespmem:s23+$0x0] =	vst v2  }
0x410: {  	v2 =	vld [tilespmem:s24+$0xF000];
	_ =	sdelay $0x1  }
0x411: {  	v3 =	vld [tilespmem:s24+$0xF200];
	_ =	sdelay $0x1  }
0x412: {  	v4 =	vld [tilespmem:s24+$0xF400]  }
0x413: {  	v2 =	vadd.f32 $0.0e+00, v2  }
0x414: {  	v5 =	vld [tilespmem:s24+$0xF600]  }
0x415: {  	v2 =	vadd.f32 v3, v2  }
0x416: {  	v3 =	vld [tilespmem:s24+$0xF800]  }
0x417: {  	v2 =	vadd.f32 v4, v2  }
0x418: {  	v14 =	vld [tilespmem:s24+$0xFA00]  }
0x419: {  	v2 =	vadd.f32 v5, v2  }
0x41a: {  	v15 =	vld [tilespmem:s24+$0xFC00]  }
0x41b: {  	v2 =	vadd.f32 v3, v2  }
0x41c: {  	v3 =	vld [tilespmem:s24+$0xFE00]  }
0x41d: {  	v2 =	vadd.f32 v14, v2  }
0x41e: {  	v16 =	vld [tilespmem:s24+$0x10000]  }
0x41f: {  	v2 =	vadd.f32 v15, v2  }
0x420: {  	v17 =	vld [tilespmem:s24+$0x10200]  }
0x421: {  	v2 =	vadd.f32 v3, v2  }
0x422: {  	v3 =	vld [tilespmem:s24+$0x10400]  }
0x423: {  	v2 =	vadd.f32 v16, v2  }
0x424: {  	v18 =	vld [tilespmem:s24+$0x10600]  }
0x425: {  	v2 =	vadd.f32 v17, v2  }
0x426: {  	v19 =	vld [tilespmem:s24+$0x10800]  }
0x427: {  	v2 =	vadd.f32 v3, v2  }
0x428: {  	v3 =	vld [tilespmem:s24+$0x10A00]  }
0x429: {  	v2 =	vadd.f32 v18, v2  }
0x42a: {  	v20 =	vld [tilespmem:s24+$0x10C00]  }
0x42b: {  	v2 =	vadd.f32 v19, v2  }
0x42c: {  	v21 =	vld [tilespmem:s24+$0x10E00]  }
0x42d: {  	v2 =	vadd.f32 v3, v2  }
0x42e: {  	v3 =	vld [tilespmem:s24+$0x11000]  }
0x42f: {  	v2 =	vadd.f32 v20, v2  }
0x430: {  	v22 =	vld [tilespmem:s24+$0x11200]  }
0x431: {  	v2 =	vadd.f32 v21, v2  }
0x432: {  	v23 =	vld [tilespmem:s24+$0x11400]  }
0x433: {  	v2 =	vadd.f32 v3, v2  }
0x434: {  	v3 =	vld [tilespmem:s24+$0x11600]  }
0x435: {  	v2 =	vadd.f32 v22, v2  }
0x436: {  	v24 =	vld [tilespmem:s24+$0x11800]  }
0x437: {  	v2 =	vadd.f32 v23, v2  }
0x438: {  	v25 =	vld [tilespmem:s24+$0x11A00]  }
0x439: {  	v2 =	vadd.f32 v3, v2  }
0x43a: {  	v3 =	vld [tilespmem:s24+$0x11C00]  }
0x43b: {  	v2 =	vadd.f32 v24, v2  }
0x43c: {  	v26 =	vld [tilespmem:s24+$0x11E00]  }
0x43d: {  	v2 =	vadd.f32 v25, v2  }
0x43e: {  	v27 =	vld [tilespmem:s24+$0x12000]  }
0x43f: {  	v2 =	vadd.f32 v3, v2  }
0x440: {  	v3 =	vld [tilespmem:s24+$0x12200]  }
0x441: {  	v2 =	vadd.f32 v26, v2  }
0x442: {  	v28 =	vld [tilespmem:s24+$0x12400]  }
0x443: {  	v2 =	vadd.f32 v27, v2  }
0x444: {  	v29 =	vld [tilespmem:s24+$0x12600]  }
0x445: {  	v2 =	vadd.f32 v3, v2  }
0x446: {  	v3 =	vld [tilespmem:s24+$0x12800]  }
0x447: {  	v2 =	vadd.f32 v28, v2  }
0x448: {  	v30 =	vld [tilespmem:s24+$0x12A00]  }
0x449: {  	v2 =	vadd.f32 v29, v2  }
0x44a: {  	v31 =	vld [tilespmem:s24+$0x12C00]  }
0x44b: {  	v2 =	vadd.f32 v3, v2  }
0x44c: {  	v3 =	vld [tilespmem:s24+$0x12E00]  }
0x44d: {  	v2 =	vadd.f32 v30, v2  }
0x44e: {  	v32 =	vld [tilespmem:s24+$0x13000]  }
0x44f: {  	v2 =	vadd.f32 v31, v2  }
0x450: {  	v33 =	vld [tilespmem:s24+$0x13200]  }
0x451: {  	v2 =	vadd.f32 v3, v2  }
0x452: {  	v3 =	vld [tilespmem:s24+$0x13400]  }
0x453: {  	v2 =	vadd.f32 v32, v2  }
0x454: {  	v34 =	vld [tilespmem:s24+$0x13600]  }
0x455: {  	v2 =	vadd.f32 v33, v2  }
0x456: {  	v35 =	vld [tilespmem:s24+$0x13800]  }
0x457: {  	v2 =	vadd.f32 v3, v2  }
0x458: {  	v3 =	vld [tilespmem:s24+$0x13A00]  }
0x459: {  	v2 =	vadd.f32 v34, v2  }
0x45a: {  	v36 =	vld [tilespmem:s24+$0x13C00]  }
0x45b: {  	v2 =	vadd.f32 v35, v2  }
0x45c: {  	v37 =	vld [tilespmem:s24+$0x13E00]  }
0x45d: {  	s23 =	sadd.s32 $0x10, s23;
	v2 =	vadd.f32 v3, v2  }
0x45e: {  	v3 =	vld [tilespmem:s23+$0x0]  }
0x45f: {  	v2 =	vadd.f32 v36, v2;
	_ =	sdelay $0x1  }
0x460: {  	v2 =	vadd.f32 v37, v2;
	_ =	sdelay $0x1  }
0x461: {  	v2 =	vadd.f32 v3, v2;
	_ =	sdelay $0x1  }
0x462: {  	[tilespmem:s23+$0x0] =	vst v2  }
0x463: {  	_ =	swait.ge [sflag:s19], $0x5000  }
0x464: {  	s30 =	simm.s32 $0x0;
	[sflag:s19] =	ssyncset.done $0x0  }
0x465: {  	s23 =	sand.u32 $0x1F0, s30;
	[sflag:s19] =	ssyncadd.s32 $0xFFFFB000  }
0x466: {  	v2 =	vld [tilespmem:s23+$0xA000];
	_ =	sdelay $0x1  }
0x467: {  	v3 =	vld [tilespmem:s23+$0xA200];
	_ =	sdelay $0x1  }
0x468: {  	v38 =	vld [tilespmem:s23+$0xA400]  }
0x469: {  	v2 =	vadd.f32 $0.0e+00, v2  }
0x46a: {  	v39 =	vld [tilespmem:s23+$0xA600]  }
0x46b: {  	v2 =	vadd.f32 v3, v2  }
0x46c: {  	v3 =	vld [tilespmem:s23+$0xA800]  }
0x46d: {  	v2 =	vadd.f32 v38, v2  }
0x46e: {  	v40 =	vld [tilespmem:s23+$0xAA00]  }
0x46f: {  	v2 =	vadd.f32 v39, v2  }
0x470: {  	v41 =	vld [tilespmem:s23+$0xAC00]  }
0x471: {  	v2 =	vadd.f32 v3, v2  }
0x472: {  	v3 =	vld [tilespmem:s23+$0xAE00]  }
0x473: {  	v2 =	vadd.f32 v40, v2  }
0x474: {  	v42 =	vld [tilespmem:s23+$0xB000]  }
0x475: {  	v2 =	vadd.f32 v41, v2  }
0x476: {  	v43 =	vld [tilespmem:s23+$0xB200]  }
0x477: {  	v2 =	vadd.f32 v3, v2  }
0x478: {  	v3 =	vld [tilespmem:s23+$0xB400]  }
0x479: {  	v2 =	vadd.f32 v42, v2  }
0x47a: {  	v44 =	vld [tilespmem:s23+$0xB600]  }
0x47b: {  	v2 =	vadd.f32 v43, v2  }
0x47c: {  	v45 =	vld [tilespmem:s23+$0xB800]  }
0x47d: {  	v2 =	vadd.f32 v3, v2  }
0x47e: {  	v3 =	vld [tilespmem:s23+$0xBA00]  }
0x47f: {  	v2 =	vadd.f32 v44, v2  }
0x480: {  	v46 =	vld [tilespmem:s23+$0xBC00]  }
0x481: {  	v2 =	vadd.f32 v45, v2  }
0x482: {  	v47 =	vld [tilespmem:s23+$0xBE00]  }
0x483: {  	v2 =	vadd.f32 v3, v2  }
0x484: {  	v3 =	vld [tilespmem:s23+$0xC000]  }
0x485: {  	v2 =	vadd.f32 v46, v2  }
0x486: {  	v48 =	vld [tilespmem:s23+$0xC200]  }
0x487: {  	v2 =	vadd.f32 v47, v2  }
0x488: {  	v49 =	vld [tilespmem:s23+$0xC400]  }
0x489: {  	v2 =	vadd.f32 v3, v2  }
0x48a: {  	v3 =	vld [tilespmem:s23+$0xC600]  }
0x48b: {  	v2 =	vadd.f32 v48, v2  }
0x48c: {  	v50 =	vld [tilespmem:s23+$0xC800]  }
0x48d: {  	v2 =	vadd.f32 v49, v2  }
0x48e: {  	v51 =	vld [tilespmem:s23+$0xCA00]  }
0x48f: {  	v2 =	vadd.f32 v3, v2  }
0x490: {  	v3 =	vld [tilespmem:s23+$0xCC00]  }
0x491: {  	v2 =	vadd.f32 v50, v2  }
0x492: {  	v52 =	vld [tilespmem:s23+$0xCE00]  }
0x493: {  	v2 =	vadd.f32 v51, v2  }
0x494: {  	v53 =	vld [tilespmem:s23+$0xD000]  }
0x495: {  	v2 =	vadd.f32 v3, v2  }
0x496: {  	v3 =	vld [tilespmem:s23+$0xD200]  }
0x497: {  	v2 =	vadd.f32 v52, v2  }
0x498: {  	v54 =	vld [tilespmem:s23+$0xD400]  }
0x499: {  	v2 =	vadd.f32 v53, v2  }
0x49a: {  	v55 =	vld [tilespmem:s23+$0xD600]  }
0x49b: {  	v2 =	vadd.f32 v3, v2  }
0x49c: {  	v3 =	vld [tilespmem:s23+$0xD800]  }
0x49d: {  	v2 =	vadd.f32 v54, v2  }
0x49e: {  	v56 =	vld [tilespmem:s23+$0xDA00]  }
0x49f: {  	v2 =	vadd.f32 v55, v2  }
0x4a0: {  	v57 =	vld [tilespmem:s23+$0xDC00]  }
0x4a1: {  	v2 =	vadd.f32 v3, v2  }
0x4a2: {  	v3 =	vld [tilespmem:s23+$0xDE00]  }
0x4a3: {  	v2 =	vadd.f32 v56, v2  }
0x4a4: {  	v58 =	vld [tilespmem:s23+$0xE000]  }
0x4a5: {  	v2 =	vadd.f32 v57, v2  }
0x4a6: {  	v59 =	vld [tilespmem:s23+$0xE200]  }
0x4a7: {  	v2 =	vadd.f32 v3, v2  }
0x4a8: {  	v3 =	vld [tilespmem:s23+$0xE400]  }
0x4a9: {  	v2 =	vadd.f32 v58, v2  }
0x4aa: {  	v60 =	vld [tilespmem:s23+$0xE600]  }
0x4ab: {  	v2 =	vadd.f32 v59, v2  }
0x4ac: {  	v61 =	vld [tilespmem:s23+$0xE800]  }
0x4ad: {  	v2 =	vadd.f32 v3, v2  }
0x4ae: {  	v3 =	vld [tilespmem:s23+$0xEA00]  }
0x4af: {  	v2 =	vadd.f32 v60, v2  }
0x4b0: {  	v62 =	vld [tilespmem:s23+$0xEC00]  }
0x4b1: {  	v2 =	vadd.f32 v61, v2  }
0x4b2: {  	v63 =	vld [tilespmem:s23+$0xEE00]  }
0x4b3: {  	s23 =	simm.s32 $0x14080;
	v2 =	vadd.f32 v3, v2  }
0x4b4: {  	v3 =	vld [tilespmem:s23+$0x0]  }
0x4b5: {  	v2 =	vadd.f32 v62, v2;
	_ =	sdelay $0x1  }
0x4b6: {  	v2 =	vadd.f32 v63, v2;
	_ =	sdelay $0x1  }
0x4b7: {  	v2 =	vadd.f32 v3, v2  }
0x4b8: {  	s31 =	simm.s32 $0x10  }
0x4b9: {  	s25 =	simm.s32 $0x20;
	s24 =	sand.u32 $0x1F0, s31;
	[tilespmem:s23+$0x0] =	vst v2  }
.LBB2_20:
0x4ba: {  	p0 =	sne.s32 s25, $0x1F0;
	v2 =	vld [tilespmem:s24+$0xA000];
	_ =	sdelay $0x1  }
0x4bb: {  	v3 =	vld [tilespmem:s24+$0xA200];
	_ =	sdelay $0x1  }
0x4bc: {  	v4 =	vld [tilespmem:s24+$0xA400]  }
0x4bd: {  	v2 =	vadd.f32 $0.0e+00, v2  }
0x4be: {  	v5 =	vld [tilespmem:s24+$0xA600]  }
0x4bf: {  	v2 =	vadd.f32 v3, v2  }
0x4c0: {  	v3 =	vld [tilespmem:s24+$0xA800]  }
0x4c1: {  	v2 =	vadd.f32 v4, v2  }
0x4c2: {  	v4 =	vld [tilespmem:s24+$0xAA00]  }
0x4c3: {  	v2 =	vadd.f32 v5, v2  }
0x4c4: {  	v5 =	vld [tilespmem:s24+$0xAC00]  }
0x4c5: {  	v2 =	vadd.f32 v3, v2  }
0x4c6: {  	v3 =	vld [tilespmem:s24+$0xAE00]  }
0x4c7: {  	v2 =	vadd.f32 v4, v2  }
0x4c8: {  	v4 =	vld [tilespmem:s24+$0xB000]  }
0x4c9: {  	v2 =	vadd.f32 v5, v2  }
0x4ca: {  	v5 =	vld [tilespmem:s24+$0xB200]  }
0x4cb: {  	v2 =	vadd.f32 v3, v2  }
0x4cc: {  	v3 =	vld [tilespmem:s24+$0xB400]  }
0x4cd: {  	v2 =	vadd.f32 v4, v2  }
0x4ce: {  	v4 =	vld [tilespmem:s24+$0xB600]  }
0x4cf: {  	v2 =	vadd.f32 v5, v2  }
0x4d0: {  	v5 =	vld [tilespmem:s24+$0xB800]  }
0x4d1: {  	v2 =	vadd.f32 v3, v2  }
0x4d2: {  	v3 =	vld [tilespmem:s24+$0xBA00]  }
0x4d3: {  	v2 =	vadd.f32 v4, v2  }
0x4d4: {  	v4 =	vld [tilespmem:s24+$0xBC00]  }
0x4d5: {  	v2 =	vadd.f32 v5, v2  }
0x4d6: {  	v5 =	vld [tilespmem:s24+$0xBE00]  }
0x4d7: {  	v2 =	vadd.f32 v3, v2  }
0x4d8: {  	v3 =	vld [tilespmem:s24+$0xC000]  }
0x4d9: {  	v2 =	vadd.f32 v4, v2  }
0x4da: {  	v4 =	vld [tilespmem:s24+$0xC200]  }
0x4db: {  	v2 =	vadd.f32 v5, v2  }
0x4dc: {  	v5 =	vld [tilespmem:s24+$0xC400]  }
0x4dd: {  	v2 =	vadd.f32 v3, v2  }
0x4de: {  	v3 =	vld [tilespmem:s24+$0xC600]  }
0x4df: {  	v2 =	vadd.f32 v4, v2  }
0x4e0: {  	v4 =	vld [tilespmem:s24+$0xC800]  }
0x4e1: {  	v2 =	vadd.f32 v5, v2  }
0x4e2: {  	v5 =	vld [tilespmem:s24+$0xCA00]  }
0x4e3: {  	v2 =	vadd.f32 v3, v2  }
0x4e4: {  	v3 =	vld [tilespmem:s24+$0xCC00]  }
0x4e5: {  	v2 =	vadd.f32 v4, v2  }
0x4e6: {  	v4 =	vld [tilespmem:s24+$0xCE00]  }
0x4e7: {  	v2 =	vadd.f32 v5, v2  }
0x4e8: {  	v5 =	vld [tilespmem:s24+$0xD000]  }
0x4e9: {  	v2 =	vadd.f32 v3, v2  }
0x4ea: {  	v3 =	vld [tilespmem:s24+$0xD200]  }
0x4eb: {  	v2 =	vadd.f32 v4, v2  }
0x4ec: {  	v4 =	vld [tilespmem:s24+$0xD400]  }
0x4ed: {  	v2 =	vadd.f32 v5, v2  }
0x4ee: {  	v5 =	vld [tilespmem:s24+$0xD600]  }
0x4ef: {  	v2 =	vadd.f32 v3, v2  }
0x4f0: {  	v3 =	vld [tilespmem:s24+$0xD800]  }
0x4f1: {  	v2 =	vadd.f32 v4, v2  }
0x4f2: {  	v4 =	vld [tilespmem:s24+$0xDA00]  }
0x4f3: {  	v2 =	vadd.f32 v5, v2  }
0x4f4: {  	v5 =	vld [tilespmem:s24+$0xDC00]  }
0x4f5: {  	v2 =	vadd.f32 v3, v2  }
0x4f6: {  	v3 =	vld [tilespmem:s24+$0xDE00]  }
0x4f7: {  	v2 =	vadd.f32 v4, v2  }
0x4f8: {  	v4 =	vld [tilespmem:s24+$0xE000]  }
0x4f9: {  	v2 =	vadd.f32 v5, v2  }
0x4fa: {  	v5 =	vld [tilespmem:s24+$0xE200]  }
0x4fb: {  	v2 =	vadd.f32 v3, v2  }
0x4fc: {  	v3 =	vld [tilespmem:s24+$0xE400]  }
0x4fd: {  	v2 =	vadd.f32 v4, v2  }
0x4fe: {  	v4 =	vld [tilespmem:s24+$0xE600]  }
0x4ff: {  	v2 =	vadd.f32 v5, v2  }
0x500: {  	v5 =	vld [tilespmem:s24+$0xE800]  }
0x501: {  	v2 =	vadd.f32 v3, v2  }
0x502: {  	v3 =	vld [tilespmem:s24+$0xEA00]  }
0x503: {  	v2 =	vadd.f32 v4, v2  }
0x504: {  	v4 =	vld [tilespmem:s24+$0xEC00]  }
0x505: {  	v2 =	vadd.f32 v5, v2  }
0x506: {  	v5 =	vld [tilespmem:s24+$0xEE00]  }
0x507: {  	s23 =	sadd.s32 $0x10, s23;
	v2 =	vadd.f32 v3, v2  }
0x508: {  	v3 =	vld [tilespmem:s23+$0x0]  }
0x509: {  	v2 =	vadd.f32 v4, v2;
	_ =	sdelay $0x1  }
.Ltmp9:
0x50a: {  	v2 =	vadd.f32 v5, v2;
	(pc) =	sbr.rel @p0 .LBB2_20-.Ltmp9, $3  }
0x50b: {  	_ = 	snop  }
0x50c: {  	v2 =	vadd.f32 v3, v2;
	_ =	sdelay $0x1  }
0x50d: {  	s24 =	sand.u32 $0x1F0, s25;
	s25 =	sadd.s32 $0x10, s25;
	[tilespmem:s23+$0x0] =	vst v2  }
0x50e: {  	v2 =	vld [tilespmem:s24+$0xA000];
	_ =	sdelay $0x1  }
0x50f: {  	v3 =	vld [tilespmem:s24+$0xA200];
	_ =	sdelay $0x1  }
0x510: {  	v4 =	vld [tilespmem:s24+$0xA400]  }
0x511: {  	v2 =	vadd.f32 $0.0e+00, v2  }
0x512: {  	v5 =	vld [tilespmem:s24+$0xA600]  }
0x513: {  	v2 =	vadd.f32 v3, v2  }
0x514: {  	v3 =	vld [tilespmem:s24+$0xA800]  }
0x515: {  	v2 =	vadd.f32 v4, v2  }
0x516: {  	v40 =	vld [tilespmem:s24+$0xAA00]  }
0x517: {  	v2 =	vadd.f32 v5, v2  }
0x518: {  	v41 =	vld [tilespmem:s24+$0xAC00]  }
0x519: {  	v2 =	vadd.f32 v3, v2  }
0x51a: {  	v3 =	vld [tilespmem:s24+$0xAE00]  }
0x51b: {  	v2 =	vadd.f32 v40, v2  }
0x51c: {  	v42 =	vld [tilespmem:s24+$0xB000]  }
0x51d: {  	v2 =	vadd.f32 v41, v2  }
0x51e: {  	v43 =	vld [tilespmem:s24+$0xB200]  }
0x51f: {  	v2 =	vadd.f32 v3, v2  }
0x520: {  	v3 =	vld [tilespmem:s24+$0xB400]  }
0x521: {  	v2 =	vadd.f32 v42, v2  }
0x522: {  	v44 =	vld [tilespmem:s24+$0xB600]  }
0x523: {  	v2 =	vadd.f32 v43, v2  }
0x524: {  	v45 =	vld [tilespmem:s24+$0xB800]  }
0x525: {  	v2 =	vadd.f32 v3, v2  }
0x526: {  	v3 =	vld [tilespmem:s24+$0xBA00]  }
0x527: {  	v2 =	vadd.f32 v44, v2  }
0x528: {  	v46 =	vld [tilespmem:s24+$0xBC00]  }
0x529: {  	v2 =	vadd.f32 v45, v2  }
0x52a: {  	v47 =	vld [tilespmem:s24+$0xBE00]  }
0x52b: {  	v2 =	vadd.f32 v3, v2  }
0x52c: {  	v3 =	vld [tilespmem:s24+$0xC000]  }
0x52d: {  	v2 =	vadd.f32 v46, v2  }
0x52e: {  	v48 =	vld [tilespmem:s24+$0xC200]  }
0x52f: {  	v2 =	vadd.f32 v47, v2  }
0x530: {  	v49 =	vld [tilespmem:s24+$0xC400]  }
0x531: {  	v2 =	vadd.f32 v3, v2  }
0x532: {  	v3 =	vld [tilespmem:s24+$0xC600]  }
0x533: {  	v2 =	vadd.f32 v48, v2  }
0x534: {  	v50 =	vld [tilespmem:s24+$0xC800]  }
0x535: {  	v2 =	vadd.f32 v49, v2  }
0x536: {  	v51 =	vld [tilespmem:s24+$0xCA00]  }
0x537: {  	v2 =	vadd.f32 v3, v2  }
0x538: {  	v3 =	vld [tilespmem:s24+$0xCC00]  }
0x539: {  	v2 =	vadd.f32 v50, v2  }
0x53a: {  	v52 =	vld [tilespmem:s24+$0xCE00]  }
0x53b: {  	v2 =	vadd.f32 v51, v2  }
0x53c: {  	v53 =	vld [tilespmem:s24+$0xD000]  }
0x53d: {  	v2 =	vadd.f32 v3, v2  }
0x53e: {  	v3 =	vld [tilespmem:s24+$0xD200]  }
0x53f: {  	v2 =	vadd.f32 v52, v2  }
0x540: {  	v54 =	vld [tilespmem:s24+$0xD400]  }
0x541: {  	v2 =	vadd.f32 v53, v2  }
0x542: {  	v55 =	vld [tilespmem:s24+$0xD600]  }
0x543: {  	v2 =	vadd.f32 v3, v2  }
0x544: {  	v3 =	vld [tilespmem:s24+$0xD800]  }
0x545: {  	v2 =	vadd.f32 v54, v2  }
0x546: {  	v56 =	vld [tilespmem:s24+$0xDA00]  }
0x547: {  	v2 =	vadd.f32 v55, v2  }
0x548: {  	v57 =	vld [tilespmem:s24+$0xDC00]  }
0x549: {  	v2 =	vadd.f32 v3, v2  }
0x54a: {  	v3 =	vld [tilespmem:s24+$0xDE00]  }
0x54b: {  	v2 =	vadd.f32 v56, v2  }
0x54c: {  	v58 =	vld [tilespmem:s24+$0xE000]  }
0x54d: {  	v2 =	vadd.f32 v57, v2  }
0x54e: {  	v59 =	vld [tilespmem:s24+$0xE200]  }
0x54f: {  	v2 =	vadd.f32 v3, v2  }
0x550: {  	v3 =	vld [tilespmem:s24+$0xE400]  }
0x551: {  	v2 =	vadd.f32 v58, v2  }
0x552: {  	v60 =	vld [tilespmem:s24+$0xE600]  }
0x553: {  	v2 =	vadd.f32 v59, v2  }
0x554: {  	v61 =	vld [tilespmem:s24+$0xE800]  }
0x555: {  	v2 =	vadd.f32 v3, v2  }
0x556: {  	v3 =	vld [tilespmem:s24+$0xEA00]  }
0x557: {  	v2 =	vadd.f32 v60, v2  }
0x558: {  	v62 =	vld [tilespmem:s24+$0xEC00]  }
0x559: {  	v2 =	vadd.f32 v61, v2  }
0x55a: {  	v63 =	vld [tilespmem:s24+$0xEE00]  }
0x55b: {  	s23 =	sadd.s32 $0x10, s23;
	v2 =	vadd.f32 v3, v2  }
0x55c: {  	v3 =	vld [tilespmem:s23+$0x0]  }
0x55d: {  	v2 =	vadd.f32 v62, v2;
	_ =	sdelay $0x1  }
0x55e: {  	v2 =	vadd.f32 v63, v2;
	_ =	sdelay $0x1  }
0x55f: {  	v2 =	vadd.f32 v3, v2;
	_ =	sdelay $0x1  }
0x560: {  	s24 =	simm.s32 $0x40;
	[tilespmem:s23+$0x0] =	vst v2;
	s23 =	simm.s32 $0x0  }
.LBB2_22:
0x561: {  	p0 =	sne.s32 s24, $0x7C0;
	v2 =	vld [tilespmem:s23+$0x14080];
	_ =	sdelay $0x2  }
.Ltmp10:
0x562: {  	(pc) =	sbr.rel @p0 .LBB2_22-.Ltmp10, $3  }
0x563: {  	_ = 	snop  }
0x564: {  	v2 =	vadd.f32 v2, v1;
	_ =	sdelay $0x1  }
0x565: {  	[tilespmem:s23+$0x14080] =	vst v2;
	s23 =	sshra.s32 s24, $0x2;
	s24 =	sadd.s32 $0x40, s24  }
0x566: {  	v2 =	vld [tilespmem:s23+$0x14080];
	_ =	sdelay $0x4  }
0x567: {  	s22 =	sadd.s32 $0x1, s22;
	v1 =	vadd.f32 v2, v1  }
0x568: {  	p0 =	sne.s32 s22, s6  }
.Ltmp11:
0x569: {  	[tilespmem:s23+$0x14080] =	vst v1;
	(pc) =	sbr.rel @p0 .LBB2_1-.Ltmp11, $4  }
0x56a: {  	[hbm4b:s5+s2] =	stream.linear.scatter [tilespmem:s21], [sflag:$0x5], $0x200, $0x38;
	[tilespmem:$0x14280] =	vst v63  }
0x56b: {  	_ =	swait.ge [sflag:s13], $0x200  }
0x56c: {  	[sflag:s13] =	ssyncset.done $0x0  }
0x56d: {  	[sflag:s13] =	ssyncadd.s32 $0xFFFFFE00  }
0x56e: {  	_ =	sfence.sel $0x180000  }
0x56f: {  	[bflag:$0x0] =	sbarrier.arrive $0xFFFF  }
0x570: {  	p0 =	sne.s32 s1, $0x0;
	_ =	strace $0x90000047  }
0x571: {  	s0 =	sadd.s32 @!p0 $0x100000, s0;
	[bflag:$0x2] =	sbarrier.arrive $0xFFFF  }
0x572: {  	[sflag:s0] =	ssyncadd.tile.s32 @!p0 $0x1;
	_ =	shalt  }
.Lfunc_end2:
_tile_overlayer_lowered:
.L_overlay_start_2:
0x573: {  	(tag) =	ssettag $0x2  }
0x574: {  	s0 =	rddreg [dreg:$0x0];
	s2 =	stileid.u32  }
0x575: {  	s1 =	rddreg [dreg:$0x1];
	p0 =	sne.s32 s2, $0x0  }
0x576: {  	s3 =	rddreg [dreg:$0x2];
	[bflag:$0x3] =	sbarrier.arrive $0xFFFF;
	s2 =	simm.s32 @!p0 $0x1C05  }
0x577: {  	[timem:s3], [sflag:s2] =	dma.local @!p0 [hbm:s0], s1  }
0x578: {  	s0 =	simm.s32 @!p0 $0x5  }
0x579: {  	_ =	swait.ge @!p0 [sflag:s0], s1  }
0x57a: {  	s1 =	ssub.s32 @!p0 $0x0, s1;
	[sflag:s0] =	ssyncset.done @!p0 $0x0  }
0x57b: {  	[sflag:s0] =	ssyncadd.s32 @!p0 s1  }
0x57c: {  	[bflag:$0x3] =	sbarrier.arrive $0xFFFF  }
0x57d: {  	_ =	shalt  }

</sc_bundles>
